<compile_context>
chip_gen: v7x
topology: tpu7x:2x2x1
jax: 0.10.2.dev20260603
libtpu: 0.0.44.dev20260713+nightly
codegen_flags: <defaults>
</compile_context>

<pallas_src>
import functools

import jax
import jax.numpy as jnp
from jax import lax
from jax.experimental import pallas as pl
from jax.experimental.pallas import tpu as pltpu
from jax.experimental.pallas import tpu_sc as plsc

N_NODES = 10000
N_EDGES = 160000
D_HALF = 128

NUM_CORES = 2
NUM_SUBCORES = 16
E_PER_TILE = N_EDGES // NUM_SUBCORES
CHUNK = 80
N_CHUNKS = E_PER_TILE // CHUNK
N_PAD = 10240
ROWS_PER_TILE = N_PAD // NUM_SUBCORES
INIT_ROWS = 128


def _bcast_lane(vec, lane):
    return lax.gather(
        vec,
        jnp.full((16, 1), lane, jnp.int32),
        lax.GatherDimensionNumbers(
            offset_dims=(),
            collapsed_slice_dims=(0,),
            start_index_map=(0,),
        ),
        (1,),
        mode=lax.GatherScatterMode.PROMISE_IN_BOUNDS,
    )


def _spmm_kernel(xa, xb, eidx):
    mesh = plsc.VectorSubcoreMesh(core_axis_name="c", subcore_axis_name="s")

    @functools.partial(
        pl.kernel,
        mesh=mesh,
        out_type=(
            jax.ShapeDtypeStruct((N_PAD, D_HALF), jnp.float32),
            jax.ShapeDtypeStruct((N_PAD, D_HALF), jnp.float32),
        ),
        scratch_types=[
            pltpu.VMEM((5, 3, CHUNK), jnp.int32),
            pltpu.VMEM((3, CHUNK, D_HALF), jnp.float32),
            pltpu.VMEM_SHARED((N_PAD, D_HALF), jnp.float32),
            pltpu.SemaphoreType.DMA,
            pltpu.SemaphoreType.DMA,
            pltpu.SemaphoreType.DMA,
        ],
    )
    def k(xa_ref, xb_ref, eidx_ref, ha_ref, hb_ref,
          idxc, rowbuf, hi_sh, gsem, isem, ssem):
        c = lax.axis_index("c")
        s = lax.axis_index("s")

        zero16 = jnp.zeros((16,), jnp.float32)

        def zrow(r, carry):
            for j in range(D_HALF // 16):
                rowbuf[0, r, pl.ds(j * 16, 16)] = zero16
            return carry

        lax.fori_loop(0, CHUNK, zrow, 0)
        for i in range(ROWS_PER_TILE // CHUNK):
            base = s * ROWS_PER_TILE + i * CHUNK
            pltpu.sync_copy(rowbuf.at[0], hi_sh.at[pl.ds(base, CHUNK)])
        plsc.subcore_barrier()

        def accumulate(table_ref, out_ref):
            pltpu.sync_copy(eidx_ref.at[s, 0], idxc.at[0])
            pltpu.sync_copy(eidx_ref.at[s, 1], idxc.at[1])
            pltpu.async_copy(eidx_ref.at[s, 2], idxc.at[2], isem)
            pltpu.async_copy(eidx_ref.at[s, 3], idxc.at[3], isem)
            pltpu.async_copy(table_ref.at[idxc.at[0, 0]], rowbuf.at[0], gsem)
            pltpu.async_copy(table_ref.at[idxc.at[1, 0]], rowbuf.at[1], gsem)

            def chunk(j, carry):
                jm3 = lax.rem(j, 3)
                jp2m3 = lax.rem(j + 2, 3)
                jm5 = lax.rem(j, 5)
                jp2m5 = lax.rem(j + 2, 5)
                jp4m5 = lax.rem(j + 4, 5)

                @pl.when(j < N_CHUNKS - 2)
                def _():
                    pltpu.make_async_copy(
                        eidx_ref.at[s, 0], idxc.at[jp2m5], isem).wait()

                @pl.when(j >= 1)
                def _():
                    pltpu.make_async_copy(
                        rowbuf.at[jp2m3],
                        hi_sh.at[pl.ds(0, CHUNK)], ssem).wait()

                @pl.when(j < N_CHUNKS - 2)
                def _():
                    pltpu.async_copy(table_ref.at[idxc.at[jp2m5, 0]],
                                     rowbuf.at[jp2m3], gsem)

                @pl.when(j < N_CHUNKS - 4)
                def _():
                    pltpu.async_copy(eidx_ref.at[s, j + 4],
                                     idxc.at[jp4m5], isem)

                pltpu.make_async_copy(
                    table_ref.at[pl.ds(0, CHUNK)], rowbuf.at[jm3], gsem).wait()

                @plsc.parallel_loop(0, CHUNK, 1, unroll=4)
                def _(e):
                    base = e & ~jnp.int32(15)
                    lane = e & jnp.int32(15)
                    evt = lax.bitcast_convert_type(
                        idxc[jm5, 2, pl.ds(base, 16)], jnp.float32)
                    ev16 = _bcast_lane(evt, lane)
                    vals = [rowbuf[jm3, e, pl.ds(jj * 16, 16)]
                            for jj in range(D_HALF // 16)]
                    vals = [v * ev16 for v in vals]
                    for jj in range(D_HALF // 16):
                        rowbuf[jm3, e, pl.ds(jj * 16, 16)] = vals[jj]

                pltpu.async_copy(rowbuf.at[jm3], hi_sh.at[idxc.at[jm5, 1]],
                                 ssem, add=True)
                return carry

            lax.fori_loop(0, N_CHUNKS, chunk, 0)
            pltpu.make_async_copy(
                rowbuf.at[0], hi_sh.at[pl.ds(0, CHUNK)], ssem).wait()
            plsc.subcore_barrier()

            base = s * ROWS_PER_TILE
            pltpu.sync_copy(hi_sh.at[pl.ds(base, ROWS_PER_TILE)],
                            out_ref.at[pl.ds(base, ROWS_PER_TILE)])

        @pl.when(c == 0)
        def _():
            accumulate(xa_ref, ha_ref)

        @pl.when(c == 1)
        def _():
            accumulate(xb_ref, hb_ref)

    return k(xa, xb, eidx)


def _mm_body(ha_ref, hb_ref, wa_ref, wb_ref, b_ref, o_ref):
    acc = jnp.dot(ha_ref[...], wa_ref[...], preferred_element_type=jnp.float32)
    acc = acc + jnp.dot(hb_ref[...], wb_ref[...],
                        preferred_element_type=jnp.float32)
    o_ref[...] = acc + b_ref[...]


def _matmul(ha, hb, wa, wb, bias2):
    n, d_out = N_NODES, wa.shape[1]
    blk = 1000
    return pl.pallas_call(
        _mm_body,
        grid=(n // blk,),
        in_specs=[
            pl.BlockSpec((blk, D_HALF), lambda i: (i, 0)),
            pl.BlockSpec((blk, D_HALF), lambda i: (i, 0)),
            pl.BlockSpec((D_HALF, d_out), lambda i: (0, 0)),
            pl.BlockSpec((D_HALF, d_out), lambda i: (0, 0)),
            pl.BlockSpec((1, d_out), lambda i: (0, 0)),
        ],
        out_specs=pl.BlockSpec((blk, d_out), lambda i: (i, 0)),
        out_shape=jax.ShapeDtypeStruct((n, d_out), jnp.float32),
    )(ha, hb, wa, wb, bias2)


def kernel(edge_index, edge_vals, input_feature, weight, bias):
    ei = edge_index.astype(jnp.int32)
    row3 = ei[0].reshape(NUM_SUBCORES, N_CHUNKS, CHUNK)
    col3 = ei[1].reshape(NUM_SUBCORES, N_CHUNKS, CHUNK)
    ev3 = lax.bitcast_convert_type(
        edge_vals.astype(jnp.float32), jnp.int32
    ).reshape(NUM_SUBCORES, N_CHUNKS, CHUNK)
    eidx = jnp.stack([col3, row3, ev3], axis=2)
    xa = input_feature[:, :D_HALF]
    xb = input_feature[:, D_HALF:]
    ha, hb = _spmm_kernel(xa, xb, eidx)
    return _matmul(ha, hb, weight[:D_HALF], weight[D_HALF:],
                   bias.reshape(1, -1))

# --- scband reference (transcript-rebuilt; emitter-appended) ---
"""Pipeline reference for scband-graph-convlayer-31851477467621 (READ-ONLY COPY).

The authoritative reference and input builder live on the scoring server;
editing this copy changes nothing except your own understanding.
"""

import jax, jax.numpy as jnp
import numpy as np

N_NODES = 10000
N_EDGES = 160000
D_IN = 256
D_OUT = 256

def setup_inputs(seed: int = 0) -> dict:
    key = jax.random.key(seed)
    k1, k2, k3, k4, k5 = jax.random.split(key, 5)
    edge_index = jax.random.randint(k1, (2, N_EDGES), 0, N_NODES, dtype=jnp.int64)
    edge_vals = jax.random.uniform(k2, (N_EDGES,), dtype=jnp.float32)
    input_feature = jax.random.normal(k3, (N_NODES, D_IN), dtype=jnp.float32)
    # kaiming-uniform-ish init for weight
    bound = float(np.sqrt(6.0 / D_IN))
    weight = jax.random.uniform(k4, (D_IN, D_OUT), dtype=jnp.float32, minval=-bound, maxval=bound)
    bias = jnp.zeros((D_OUT,), dtype=jnp.float32)
    return {"edge_index": edge_index, "edge_vals": edge_vals, "input_feature": input_feature, "weight": weight, "bias": bias}

def reference(edge_index, edge_vals, input_feature, weight, bias):
    # torch.spmm(adjacency, input_feature): adjacency is sparse COO [N, N]
    # row = edge_index[0] (dst of aggregation), col = edge_index[1] (src gather)
    row = edge_index[0]
    col = edge_index[1]
    gathered = jnp.take(input_feature, col, axis=0)          # gather  [E, D_IN]
    msgs = gathered * edge_vals[:, None]                      # weight by adjacency values
    hi = jax.ops.segment_sum(msgs, row, num_segments=input_feature.shape[0])  # scatter-add [N, D_IN]
    support = hi                                              # appnp=False path
    output = support @ weight                                 # dense matmul [N, D_OUT]
    output = output + bias                                    # use_bias=True
    # residual=False, so no skip connection
    return output

if __name__ == "__main__":
    import jax
    _d = setup_inputs()
    print(jax.jit(kernel)(*tuple(_d.values())))

</pallas_src>

<mosaic_0001>
#map = affine_map<(d0, d1) -> (0, 0)>
#map1 = affine_map<(d0, d1) -> (0, 0, 0, 0)>
module attributes {stable_mosaic.version = 14 : i64} {
  func.func @k(%arg0: i32, %arg1: i32, %arg2: memref<10000x128xf32, #tpu.memory_space<hbm>>, %arg3: memref<10000x128xf32, #tpu.memory_space<hbm>>, %arg4: memref<16x125x3x80xi32, #tpu.memory_space<hbm>>, %arg5: memref<10240x128xf32, #tpu.memory_space<hbm>>, %arg6: memref<10240x128xf32, #tpu.memory_space<hbm>>, %arg7: memref<5x3x80xi32, #tpu.memory_space<vmem>>, %arg8: memref<3x80x128xf32, #tpu.memory_space<vmem>>, %arg9: memref<10240x128xf32, #tpu.memory_space<vmem_shared>>, %arg10: memref<!tpu.dma_semaphore, #tpu.memory_space<semaphore_mem>>, %arg11: memref<!tpu.dma_semaphore, #tpu.memory_space<semaphore_mem>>, %arg12: memref<!tpu.dma_semaphore, #tpu.memory_space<semaphore_mem>>) attributes {dimension_semantics = [#tpu.dimension_semantics<core_parallel>, #tpu.dimension_semantics<subcore_parallel>], iteration_bounds = array<i64: 2, 16>, scalar_prefetch = 0 : i64, scratch_operands = 6 : i64, tpu.core_type = #tpu.core_type<sc_vector_subcore>, window_params = [{transform_indices = #map}, {transform_indices = #map}, {transform_indices = #map1}, {transform_indices = #map}, {transform_indices = #map}]} {
    %broadcast_in_dim3A = arith.constant 0.000000e+00 : f32
    %broadcast_in_dim3A_0 = vector.broadcast %broadcast_in_dim3A : f32 to vector<16xf32>
    %scan3A = arith.constant 0 : i32
    %scan3A_1 = arith.constant 0 : i32
    %scan3A_2 = arith.constant 80 : i32
    %scan3A_3 = arith.addi %scan3A_1, %scan3A_2 : i32
    %scan3A_4 = arith.constant 1 : i32
    scf.for %scan3A_50 = %scan3A_1 to %scan3A_3 step %scan3A_4  : i32 {
      %swap3A = arith.constant 0 : i32
      %swap3A_51 = arith.index_cast %swap3A : i32 to index
      %swap3A_52 = arith.index_cast %scan3A_50 : i32 to index
      %swap3A_53 = arith.constant 0 : index
      %swap3A_54 = tpu.vector_load %arg8[%swap3A_51, %swap3A_52, %swap3A_53] {strides = array<i32>} : memref<3x80x128xf32, #tpu.memory_space<vmem>>, vector<1x1x16xf32>,
      %swap3A_55 = vector.shape_cast %swap3A_54 : vector<1x1x16xf32> to vector<16xf32>
      %swap3A_56 = vector.shape_cast %broadcast_in_dim3A_0 : vector<16xf32> to vector<1x1x16xf32>
      tpu.vector_store %arg8[%swap3A_51, %swap3A_52, %swap3A_53], %swap3A_56 {strides = array<i32>} : memref<3x80x128xf32, #tpu.memory_space<vmem>>, vector<1x1x16xf32>,
      %swap3A_57 = arith.constant 0 : i32
      %swap3A_58 = arith.index_cast %swap3A_57 : i32 to index
      %swap3A_59 = arith.index_cast %scan3A_50 : i32 to index
      %swap3A_60 = arith.constant 16 : index
      %swap3A_61 = tpu.vector_load %arg8[%swap3A_58, %swap3A_59, %swap3A_60] {strides = array<i32>} : memref<3x80x128xf32, #tpu.memory_space<vmem>>, vector<1x1x16xf32>,
      %swap3A_62 = vector.shape_cast %swap3A_61 : vector<1x1x16xf32> to vector<16xf32>
      %swap3A_63 = vector.shape_cast %broadcast_in_dim3A_0 : vector<16xf32> to vector<1x1x16xf32>
      tpu.vector_store %arg8[%swap3A_58, %swap3A_59, %swap3A_60], %swap3A_63 {strides = array<i32>} : memref<3x80x128xf32, #tpu.memory_space<vmem>>, vector<1x1x16xf32>,
      %swap3A_64 = arith.constant 0 : i32
      %swap3A_65 = arith.index_cast %swap3A_64 : i32 to index
      %swap3A_66 = arith.index_cast %scan3A_50 : i32 to index
      %swap3A_67 = arith.constant 32 : index
      %swap3A_68 = tpu.vector_load %arg8[%swap3A_65, %swap3A_66, %swap3A_67] {strides = array<i32>} : memref<3x80x128xf32, #tpu.memory_space<vmem>>, vector<1x1x16xf32>,
      %swap3A_69 = vector.shape_cast %swap3A_68 : vector<1x1x16xf32> to vector<16xf32>
      %swap3A_70 = vector.shape_cast %broadcast_in_dim3A_0 : vector<16xf32> to vector<1x1x16xf32>
      tpu.vector_store %arg8[%swap3A_65, %swap3A_66, %swap3A_67], %swap3A_70 {strides = array<i32>} : memref<3x80x128xf32, #tpu.memory_space<vmem>>, vector<1x1x16xf32>,
      %swap3A_71 = arith.constant 0 : i32
      %swap3A_72 = arith.index_cast %swap3A_71 : i32 to index
      %swap3A_73 = arith.index_cast %scan3A_50 : i32 to index
      %swap3A_74 = arith.constant 48 : index
      %swap3A_75 = tpu.vector_load %arg8[%swap3A_72, %swap3A_73, %swap3A_74] {strides = array<i32>} : memref<3x80x128xf32, #tpu.memory_space<vmem>>, vector<1x1x16xf32>,
      %swap3A_76 = vector.shape_cast %swap3A_75 : vector<1x1x16xf32> to vector<16xf32>
      %swap3A_77 = vector.shape_cast %broadcast_in_dim3A_0 : vector<16xf32> to vector<1x1x16xf32>
      tpu.vector_store %arg8[%swap3A_72, %swap3A_73, %swap3A_74], %swap3A_77 {strides = array<i32>} : memref<3x80x128xf32, #tpu.memory_space<vmem>>, vector<1x1x16xf32>,
      %swap3A_78 = arith.constant 0 : i32
      %swap3A_79 = arith.index_cast %swap3A_78 : i32 to index
      %swap3A_80 = arith.index_cast %scan3A_50 : i32 to index
      %swap3A_81 = arith.constant 64 : index
      %swap3A_82 = tpu.vector_load %arg8[%swap3A_79, %swap3A_80, %swap3A_81] {strides = array<i32>} : memref<3x80x128xf32, #tpu.memory_space<vmem>>, vector<1x1x16xf32>,
      %swap3A_83 = vector.shape_cast %swap3A_82 : vector<1x1x16xf32> to vector<16xf32>
      %swap3A_84 = vector.shape_cast %broadcast_in_dim3A_0 : vector<16xf32> to vector<1x1x16xf32>
      tpu.vector_store %arg8[%swap3A_79, %swap3A_80, %swap3A_81], %swap3A_84 {strides = array<i32>} : memref<3x80x128xf32, #tpu.memory_space<vmem>>, vector<1x1x16xf32>,
      %swap3A_85 = arith.constant 0 : i32
      %swap3A_86 = arith.index_cast %swap3A_85 : i32 to index
      %swap3A_87 = arith.index_cast %scan3A_50 : i32 to index
      %swap3A_88 = arith.constant 80 : index
      %swap3A_89 = tpu.vector_load %arg8[%swap3A_86, %swap3A_87, %swap3A_88] {strides = array<i32>} : memref<3x80x128xf32, #tpu.memory_space<vmem>>, vector<1x1x16xf32>,
      %swap3A_90 = vector.shape_cast %swap3A_89 : vector<1x1x16xf32> to vector<16xf32>
      %swap3A_91 = vector.shape_cast %broadcast_in_dim3A_0 : vector<16xf32> to vector<1x1x16xf32>
      tpu.vector_store %arg8[%swap3A_86, %swap3A_87, %swap3A_88], %swap3A_91 {strides = array<i32>} : memref<3x80x128xf32, #tpu.memory_space<vmem>>, vector<1x1x16xf32>,
      %swap3A_92 = arith.constant 0 : i32
      %swap3A_93 = arith.index_cast %swap3A_92 : i32 to index
      %swap3A_94 = arith.index_cast %scan3A_50 : i32 to index
      %swap3A_95 = arith.constant 96 : index
      %swap3A_96 = tpu.vector_load %arg8[%swap3A_93, %swap3A_94, %swap3A_95] {strides = array<i32>} : memref<3x80x128xf32, #tpu.memory_space<vmem>>, vector<1x1x16xf32>,
      %swap3A_97 = vector.shape_cast %swap3A_96 : vector<1x1x16xf32> to vector<16xf32>
      %swap3A_98 = vector.shape_cast %broadcast_in_dim3A_0 : vector<16xf32> to vector<1x1x16xf32>
      tpu.vector_store %arg8[%swap3A_93, %swap3A_94, %swap3A_95], %swap3A_98 {strides = array<i32>} : memref<3x80x128xf32, #tpu.memory_space<vmem>>, vector<1x1x16xf32>,
      %swap3A_99 = arith.constant 0 : i32
      %swap3A_100 = arith.index_cast %swap3A_99 : i32 to index
      %swap3A_101 = arith.index_cast %scan3A_50 : i32 to index
      %swap3A_102 = arith.constant 112 : index
      %swap3A_103 = tpu.vector_load %arg8[%swap3A_100, %swap3A_101, %swap3A_102] {strides = array<i32>} : memref<3x80x128xf32, #tpu.memory_space<vmem>>, vector<1x1x16xf32>,
      %swap3A_104 = vector.shape_cast %swap3A_103 : vector<1x1x16xf32> to vector<16xf32>
      %swap3A_105 = vector.shape_cast %broadcast_in_dim3A_0 : vector<16xf32> to vector<1x1x16xf32>
      tpu.vector_store %arg8[%swap3A_100, %swap3A_101, %swap3A_102], %swap3A_105 {strides = array<i32>} : memref<3x80x128xf32, #tpu.memory_space<vmem>>, vector<1x1x16xf32>,
    }
    %scan3A_5 = arith.constant 80 : i32
    %mul3A = arith.constant 640 : i32
    %mul3A_6 = arith.muli %arg1, %mul3A : i32
    %add3A = arith.constant 0 : i32
    %add3A_7 = arith.addi %mul3A_6, %add3A : i32
    %run_scoped3A = arith.constant 0 : i32
    "tpu.region"() ({
      %run_scoped3A_50 = tpu.sem_alloc : memref<!tpu.dma_semaphore, #tpu.memory_space<semaphore_mem>>
      %dma_start3A = arith.constant 0 : i32
      %dma_start3A_51 = arith.constant 0 : i32
      %dma_start3A_52 = tpu.memref_slice %arg8[%run_scoped3A, %dma_start3A, %dma_start3A_51] : memref<3x80x128xf32, #tpu.memory_space<vmem>> -> memref<1x80x128xf32, #tpu.memory_space<vmem>>
      %dma_start3A_53 = tpu.memref_squeeze %dma_start3A_52 : memref<1x80x128xf32, #tpu.memory_space<vmem>> -> memref<80x128xf32, #tpu.memory_space<vmem>>
      %dma_start3A_54 = arith.constant 0 : i32
      %dma_start3A_55 = tpu.memref_slice %arg9[%add3A_7, %dma_start3A_54] : memref<10240x128xf32, #tpu.memory_space<vmem_shared>> -> memref<80x128xf32, #tpu.memory_space<vmem_shared>>
      %dma_start3A_56 = arith.constant 0 : i32
      %dma_start3A_57 = tpu.memref_slice %arg9[%add3A_7, %dma_start3A_56] : memref<10240x128xf32, #tpu.memory_space<vmem_shared>> -> memref<80x128xf32, #tpu.memory_space<vmem_shared>>
      %dma_start3A_58 = arith.constant 0 : i32
      %dma_start3A_59 = arith.constant 0 : i32
      %dma_start3A_60 = tpu.memref_slice %arg8[%run_scoped3A, %dma_start3A_58, %dma_start3A_59] : memref<3x80x128xf32, #tpu.memory_space<vmem>> -> memref<1x80x128xf32, #tpu.memory_space<vmem>>
      %dma_start3A_61 = tpu.memref_squeeze %dma_start3A_60 : memref<1x80x128xf32, #tpu.memory_space<vmem>> -> memref<80x128xf32, #tpu.memory_space<vmem>>
      tpu.enqueue_dma source(%dma_start3A_61 : memref<80x128xf32, #tpu.memory_space<vmem>>) target(%dma_start3A_57 : memref<80x128xf32, #tpu.memory_space<vmem_shared>>) target_semaphore(%run_scoped3A_50 : memref<!tpu.dma_semaphore, #tpu.memory_space<semaphore_mem>>)
      %dma_wait3A = arith.constant 0 : i32
      %dma_wait3A_62 = arith.constant 0 : i32
      %dma_wait3A_63 = tpu.memref_slice %arg8[%run_scoped3A, %dma_wait3A, %dma_wait3A_62] : memref<3x80x128xf32, #tpu.memory_space<vmem>> -> memref<1x80x128xf32, #tpu.memory_space<vmem>>
      %dma_wait3A_64 = tpu.memref_squeeze %dma_wait3A_63 : memref<1x80x128xf32, #tpu.memory_space<vmem>> -> memref<80x128xf32, #tpu.memory_space<vmem>>
      %dma_wait3A_65 = arith.constant 0 : i32
      %dma_wait3A_66 = tpu.memref_slice %arg9[%add3A_7, %dma_wait3A_65] : memref<10240x128xf32, #tpu.memory_space<vmem_shared>> -> memref<80x128xf32, #tpu.memory_space<vmem_shared>>
      %dma_wait3A_67 = arith.constant 0 : i32
      %dma_wait3A_68 = tpu.memref_slice %arg9[%add3A_7, %dma_wait3A_67] : memref<10240x128xf32, #tpu.memory_space<vmem_shared>> -> memref<80x128xf32, #tpu.memory_space<vmem_shared>>
      %dma_wait3A_69 = arith.constant 0 : i32
      %dma_wait3A_70 = arith.constant 0 : i32
      %dma_wait3A_71 = tpu.memref_slice %arg8[%run_scoped3A, %dma_wait3A_69, %dma_wait3A_70] : memref<3x80x128xf32, #tpu.memory_space<vmem>> -> memref<1x80x128xf32, #tpu.memory_space<vmem>>
      %dma_wait3A_72 = tpu.memref_squeeze %dma_wait3A_71 : memref<1x80x128xf32, #tpu.memory_space<vmem>> -> memref<80x128xf32, #tpu.memory_space<vmem>>
      tpu.wait_dma2 semaphore(%run_scoped3A_50 : memref<!tpu.dma_semaphore, #tpu.memory_space<semaphore_mem>>) src(%dma_wait3A_72 : memref<80x128xf32, #tpu.memory_space<vmem>>) dst(%dma_wait3A_68 : memref<80x128xf32, #tpu.memory_space<vmem_shared>>)
      tpu.yield
    }) : () -> ()
    %mul3A_8 = arith.constant 640 : i32
    %mul3A_9 = arith.muli %arg1, %mul3A_8 : i32
    %add3A_10 = arith.constant 80 : i32
    %add3A_11 = arith.addi %mul3A_9, %add3A_10 : i32
    %run_scoped3A_12 = arith.constant 0 : i32
    "tpu.region"() ({
      %run_scoped3A_50 = tpu.sem_alloc : memref<!tpu.dma_semaphore, #tpu.memory_space<semaphore_mem>>
      %dma_start3A = arith.constant 0 : i32
      %dma_start3A_51 = arith.constant 0 : i32
      %dma_start3A_52 = tpu.memref_slice %arg8[%run_scoped3A_12, %dma_start3A, %dma_start3A_51] : memref<3x80x128xf32, #tpu.memory_space<vmem>> -> memref<1x80x128xf32, #tpu.memory_space<vmem>>
      %dma_start3A_53 = tpu.memref_squeeze %dma_start3A_52 : memref<1x80x128xf32, #tpu.memory_space<vmem>> -> memref<80x128xf32, #tpu.memory_space<vmem>>
      %dma_start3A_54 = arith.constant 0 : i32
      %dma_start3A_55 = tpu.memref_slice %arg9[%add3A_11, %dma_start3A_54] : memref<10240x128xf32, #tpu.memory_space<vmem_shared>> -> memref<80x128xf32, #tpu.memory_space<vmem_shared>>
      %dma_start3A_56 = arith.constant 0 : i32
      %dma_start3A_57 = tpu.memref_slice %arg9[%add3A_11, %dma_start3A_56] : memref<10240x128xf32, #tpu.memory_space<vmem_shared>> -> memref<80x128xf32, #tpu.memory_space<vmem_shared>>
      %dma_start3A_58 = arith.constant 0 : i32
      %dma_start3A_59 = arith.constant 0 : i32
      %dma_start3A_60 = tpu.memref_slice %arg8[%run_scoped3A_12, %dma_start3A_58, %dma_start3A_59] : memref<3x80x128xf32, #tpu.memory_space<vmem>> -> memref<1x80x128xf32, #tpu.memory_space<vmem>>
      %dma_start3A_61 = tpu.memref_squeeze %dma_start3A_60 : memref<1x80x128xf32, #tpu.memory_space<vmem>> -> memref<80x128xf32, #tpu.memory_space<vmem>>
      tpu.enqueue_dma source(%dma_start3A_61 : memref<80x128xf32, #tpu.memory_space<vmem>>) target(%dma_start3A_57 : memref<80x128xf32, #tpu.memory_space<vmem_shared>>) target_semaphore(%run_scoped3A_50 : memref<!tpu.dma_semaphore, #tpu.memory_space<semaphore_mem>>)
      %dma_wait3A = arith.constant 0 : i32
      %dma_wait3A_62 = arith.constant 0 : i32
      %dma_wait3A_63 = tpu.memref_slice %arg8[%run_scoped3A_12, %dma_wait3A, %dma_wait3A_62] : memref<3x80x128xf32, #tpu.memory_space<vmem>> -> memref<1x80x128xf32, #tpu.memory_space<vmem>>
      %dma_wait3A_64 = tpu.memref_squeeze %dma_wait3A_63 : memref<1x80x128xf32, #tpu.memory_space<vmem>> -> memref<80x128xf32, #tpu.memory_space<vmem>>
      %dma_wait3A_65 = arith.constant 0 : i32
      %dma_wait3A_66 = tpu.memref_slice %arg9[%add3A_11, %dma_wait3A_65] : memref<10240x128xf32, #tpu.memory_space<vmem_shared>> -> memref<80x128xf32, #tpu.memory_space<vmem_shared>>
      %dma_wait3A_67 = arith.constant 0 : i32
      %dma_wait3A_68 = tpu.memref_slice %arg9[%add3A_11, %dma_wait3A_67] : memref<10240x128xf32, #tpu.memory_space<vmem_shared>> -> memref<80x128xf32, #tpu.memory_space<vmem_shared>>
      %dma_wait3A_69 = arith.constant 0 : i32
      %dma_wait3A_70 = arith.constant 0 : i32
      %dma_wait3A_71 = tpu.memref_slice %arg8[%run_scoped3A_12, %dma_wait3A_69, %dma_wait3A_70] : memref<3x80x128xf32, #tpu.memory_space<vmem>> -> memref<1x80x128xf32, #tpu.memory_space<vmem>>
      %dma_wait3A_72 = tpu.memref_squeeze %dma_wait3A_71 : memref<1x80x128xf32, #tpu.memory_space<vmem>> -> memref<80x128xf32, #tpu.memory_space<vmem>>
      tpu.wait_dma2 semaphore(%run_scoped3A_50 : memref<!tpu.dma_semaphore, #tpu.memory_space<semaphore_mem>>) src(%dma_wait3A_72 : memref<80x128xf32, #tpu.memory_space<vmem>>) dst(%dma_wait3A_68 : memref<80x128xf32, #tpu.memory_space<vmem_shared>>)
      tpu.yield
    }) : () -> ()
    %mul3A_13 = arith.constant 640 : i32
    %mul3A_14 = arith.muli %arg1, %mul3A_13 : i32
    %add3A_15 = arith.constant 160 : i32
    %add3A_16 = arith.addi %mul3A_14, %add3A_15 : i32
    %run_scoped3A_17 = arith.constant 0 : i32
    "tpu.region"() ({
      %run_scoped3A_50 = tpu.sem_alloc : memref<!tpu.dma_semaphore, #tpu.memory_space<semaphore_mem>>
      %dma_start3A = arith.constant 0 : i32
      %dma_start3A_51 = arith.constant 0 : i32
      %dma_start3A_52 = tpu.memref_slice %arg8[%run_scoped3A_17, %dma_start3A, %dma_start3A_51] : memref<3x80x128xf32, #tpu.memory_space<vmem>> -> memref<1x80x128xf32, #tpu.memory_space<vmem>>
      %dma_start3A_53 = tpu.memref_squeeze %dma_start3A_52 : memref<1x80x128xf32, #tpu.memory_space<vmem>> -> memref<80x128xf32, #tpu.memory_space<vmem>>
      %dma_start3A_54 = arith.constant 0 : i32
      %dma_start3A_55 = tpu.memref_slice %arg9[%add3A_16, %dma_start3A_54] : memref<10240x128xf32, #tpu.memory_space<vmem_shared>> -> memref<80x128xf32, #tpu.memory_space<vmem_shared>>
      %dma_start3A_56 = arith.constant 0 : i32
      %dma_start3A_57 = tpu.memref_slice %arg9[%add3A_16, %dma_start3A_56] : memref<10240x128xf32, #tpu.memory_space<vmem_shared>> -> memref<80x128xf32, #tpu.memory_space<vmem_shared>>
      %dma_start3A_58 = arith.constant 0 : i32
      %dma_start3A_59 = arith.constant 0 : i32
      %dma_start3A_60 = tpu.memref_slice %arg8[%run_scoped3A_17, %dma_start3A_58, %dma_start3A_59] : memref<3x80x128xf32, #tpu.memory_space<vmem>> -> memref<1x80x128xf32, #tpu.memory_space<vmem>>
      %dma_start3A_61 = tpu.memref_squeeze %dma_start3A_60 : memref<1x80x128xf32, #tpu.memory_space<vmem>> -> memref<80x128xf32, #tpu.memory_space<vmem>>
      tpu.enqueue_dma source(%dma_start3A_61 : memref<80x128xf32, #tpu.memory_space<vmem>>) target(%dma_start3A_57 : memref<80x128xf32, #tpu.memory_space<vmem_shared>>) target_semaphore(%run_scoped3A_50 : memref<!tpu.dma_semaphore, #tpu.memory_space<semaphore_mem>>)
      %dma_wait3A = arith.constant 0 : i32
      %dma_wait3A_62 = arith.constant 0 : i32
      %dma_wait3A_63 = tpu.memref_slice %arg8[%run_scoped3A_17, %dma_wait3A, %dma_wait3A_62] : memref<3x80x128xf32, #tpu.memory_space<vmem>> -> memref<1x80x128xf32, #tpu.memory_space<vmem>>
      %dma_wait3A_64 = tpu.memref_squeeze %dma_wait3A_63 : memref<1x80x128xf32, #tpu.memory_space<vmem>> -> memref<80x128xf32, #tpu.memory_space<vmem>>
      %dma_wait3A_65 = arith.constant 0 : i32
      %dma_wait3A_66 = tpu.memref_slice %arg9[%add3A_16, %dma_wait3A_65] : memref<10240x128xf32, #tpu.memory_space<vmem_shared>> -> memref<80x128xf32, #tpu.memory_space<vmem_shared>>
      %dma_wait3A_67 = arith.constant 0 : i32
      %dma_wait3A_68 = tpu.memref_slice %arg9[%add3A_16, %dma_wait3A_67] : memref<10240x128xf32, #tpu.memory_space<vmem_shared>> -> memref<80x128xf32, #tpu.memory_space<vmem_shared>>
      %dma_wait3A_69 = arith.constant 0 : i32
      %dma_wait3A_70 = arith.constant 0 : i32
      %dma_wait3A_71 = tpu.memref_slice %arg8[%run_scoped3A_17, %dma_wait3A_69, %dma_wait3A_70] : memref<3x80x128xf32, #tpu.memory_space<vmem>> -> memref<1x80x128xf32, #tpu.memory_space<vmem>>
      %dma_wait3A_72 = tpu.memref_squeeze %dma_wait3A_71 : memref<1x80x128xf32, #tpu.memory_space<vmem>> -> memref<80x128xf32, #tpu.memory_space<vmem>>
      tpu.wait_dma2 semaphore(%run_scoped3A_50 : memref<!tpu.dma_semaphore, #tpu.memory_space<semaphore_mem>>) src(%dma_wait3A_72 : memref<80x128xf32, #tpu.memory_space<vmem>>) dst(%dma_wait3A_68 : memref<80x128xf32, #tpu.memory_space<vmem_shared>>)
      tpu.yield
    }) : () -> ()
    %mul3A_18 = arith.constant 640 : i32
    %mul3A_19 = arith.muli %arg1, %mul3A_18 : i32
    %add3A_20 = arith.constant 240 : i32
    %add3A_21 = arith.addi %mul3A_19, %add3A_20 : i32
    %run_scoped3A_22 = arith.constant 0 : i32
    "tpu.region"() ({
      %run_scoped3A_50 = tpu.sem_alloc : memref<!tpu.dma_semaphore, #tpu.memory_space<semaphore_mem>>
      %dma_start3A = arith.constant 0 : i32
      %dma_start3A_51 = arith.constant 0 : i32
      %dma_start3A_52 = tpu.memref_slice %arg8[%run_scoped3A_22, %dma_start3A, %dma_start3A_51] : memref<3x80x128xf32, #tpu.memory_space<vmem>> -> memref<1x80x128xf32, #tpu.memory_space<vmem>>
      %dma_start3A_53 = tpu.memref_squeeze %dma_start3A_52 : memref<1x80x128xf32, #tpu.memory_space<vmem>> -> memref<80x128xf32, #tpu.memory_space<vmem>>
      %dma_start3A_54 = arith.constant 0 : i32
      %dma_start3A_55 = tpu.memref_slice %arg9[%add3A_21, %dma_start3A_54] : memref<10240x128xf32, #tpu.memory_space<vmem_shared>> -> memref<80x128xf32, #tpu.memory_space<vmem_shared>>
      %dma_start3A_56 = arith.constant 0 : i32
      %dma_start3A_57 = tpu.memref_slice %arg9[%add3A_21, %dma_start3A_56] : memref<10240x128xf32, #tpu.memory_space<vmem_shared>> -> memref<80x128xf32, #tpu.memory_space<vmem_shared>>
      %dma_start3A_58 = arith.constant 0 : i32
      %dma_start3A_59 = arith.constant 0 : i32
      %dma_start3A_60 = tpu.memref_slice %arg8[%run_scoped3A_22, %dma_start3A_58, %dma_start3A_59] : memref<3x80x128xf32, #tpu.memory_space<vmem>> -> memref<1x80x128xf32, #tpu.memory_space<vmem>>
      %dma_start3A_61 = tpu.memref_squeeze %dma_start3A_60 : memref<1x80x128xf32, #tpu.memory_space<vmem>> -> memref<80x128xf32, #tpu.memory_space<vmem>>
      tpu.enqueue_dma source(%dma_start3A_61 : memref<80x128xf32, #tpu.memory_space<vmem>>) target(%dma_start3A_57 : memref<80x128xf32, #tpu.memory_space<vmem_shared>>) target_semaphore(%run_scoped3A_50 : memref<!tpu.dma_semaphore, #tpu.memory_space<semaphore_mem>>)
      %dma_wait3A = arith.constant 0 : i32
      %dma_wait3A_62 = arith.constant 0 : i32
      %dma_wait3A_63 = tpu.memref_slice %arg8[%run_scoped3A_22, %dma_wait3A, %dma_wait3A_62] : memref<3x80x128xf32, #tpu.memory_space<vmem>> -> memref<1x80x128xf32, #tpu.memory_space<vmem>>
      %dma_wait3A_64 = tpu.memref_squeeze %dma_wait3A_63 : memref<1x80x128xf32, #tpu.memory_space<vmem>> -> memref<80x128xf32, #tpu.memory_space<vmem>>
      %dma_wait3A_65 = arith.constant 0 : i32
      %dma_wait3A_66 = tpu.memref_slice %arg9[%add3A_21, %dma_wait3A_65] : memref<10240x128xf32, #tpu.memory_space<vmem_shared>> -> memref<80x128xf32, #tpu.memory_space<vmem_shared>>
      %dma_wait3A_67 = arith.constant 0 : i32
      %dma_wait3A_68 = tpu.memref_slice %arg9[%add3A_21, %dma_wait3A_67] : memref<10240x128xf32, #tpu.memory_space<vmem_shared>> -> memref<80x128xf32, #tpu.memory_space<vmem_shared>>
      %dma_wait3A_69 = arith.constant 0 : i32
      %dma_wait3A_70 = arith.constant 0 : i32
      %dma_wait3A_71 = tpu.memref_slice %arg8[%run_scoped3A_22, %dma_wait3A_69, %dma_wait3A_70] : memref<3x80x128xf32, #tpu.memory_space<vmem>> -> memref<1x80x128xf32, #tpu.memory_space<vmem>>
      %dma_wait3A_72 = tpu.memref_squeeze %dma_wait3A_71 : memref<1x80x128xf32, #tpu.memory_space<vmem>> -> memref<80x128xf32, #tpu.memory_space<vmem>>
      tpu.wait_dma2 semaphore(%run_scoped3A_50 : memref<!tpu.dma_semaphore, #tpu.memory_space<semaphore_mem>>) src(%dma_wait3A_72 : memref<80x128xf32, #tpu.memory_space<vmem>>) dst(%dma_wait3A_68 : memref<80x128xf32, #tpu.memory_space<vmem_shared>>)
      tpu.yield
    }) : () -> ()
    %mul3A_23 = arith.constant 640 : i32
    %mul3A_24 = arith.muli %arg1, %mul3A_23 : i32
    %add3A_25 = arith.constant 320 : i32
    %add3A_26 = arith.addi %mul3A_24, %add3A_25 : i32
    %run_scoped3A_27 = arith.constant 0 : i32
    "tpu.region"() ({
      %run_scoped3A_50 = tpu.sem_alloc : memref<!tpu.dma_semaphore, #tpu.memory_space<semaphore_mem>>
      %dma_start3A = arith.constant 0 : i32
      %dma_start3A_51 = arith.constant 0 : i32
      %dma_start3A_52 = tpu.memref_slice %arg8[%run_scoped3A_27, %dma_start3A, %dma_start3A_51] : memref<3x80x128xf32, #tpu.memory_space<vmem>> -> memref<1x80x128xf32, #tpu.memory_space<vmem>>
      %dma_start3A_53 = tpu.memref_squeeze %dma_start3A_52 : memref<1x80x128xf32, #tpu.memory_space<vmem>> -> memref<80x128xf32, #tpu.memory_space<vmem>>
      %dma_start3A_54 = arith.constant 0 : i32
      %dma_start3A_55 = tpu.memref_slice %arg9[%add3A_26, %dma_start3A_54] : memref<10240x128xf32, #tpu.memory_space<vmem_shared>> -> memref<80x128xf32, #tpu.memory_space<vmem_shared>>
      %dma_start3A_56 = arith.constant 0 : i32
      %dma_start3A_57 = tpu.memref_slice %arg9[%add3A_26, %dma_start3A_56] : memref<10240x128xf32, #tpu.memory_space<vmem_shared>> -> memref<80x128xf32, #tpu.memory_space<vmem_shared>>
      %dma_start3A_58 = arith.constant 0 : i32
      %dma_start3A_59 = arith.constant 0 : i32
      %dma_start3A_60 = tpu.memref_slice %arg8[%run_scoped3A_27, %dma_start3A_58, %dma_start3A_59] : memref<3x80x128xf32, #tpu.memory_space<vmem>> -> memref<1x80x128xf32, #tpu.memory_space<vmem>>
      %dma_start3A_61 = tpu.memref_squeeze %dma_start3A_60 : memref<1x80x128xf32, #tpu.memory_space<vmem>> -> memref<80x128xf32, #tpu.memory_space<vmem>>
      tpu.enqueue_dma source(%dma_start3A_61 : memref<80x128xf32, #tpu.memory_space<vmem>>) target(%dma_start3A_57 : memref<80x128xf32, #tpu.memory_space<vmem_shared>>) target_semaphore(%run_scoped3A_50 : memref<!tpu.dma_semaphore, #tpu.memory_space<semaphore_mem>>)
      %dma_wait3A = arith.constant 0 : i32
      %dma_wait3A_62 = arith.constant 0 : i32
      %dma_wait3A_63 = tpu.memref_slice %arg8[%run_scoped3A_27, %dma_wait3A, %dma_wait3A_62] : memref<3x80x128xf32, #tpu.memory_space<vmem>> -> memref<1x80x128xf32, #tpu.memory_space<vmem>>
      %dma_wait3A_64 = tpu.memref_squeeze %dma_wait3A_63 : memref<1x80x128xf32, #tpu.memory_space<vmem>> -> memref<80x128xf32, #tpu.memory_space<vmem>>
      %dma_wait3A_65 = arith.constant 0 : i32
      %dma_wait3A_66 = tpu.memref_slice %arg9[%add3A_26, %dma_wait3A_65] : memref<10240x128xf32, #tpu.memory_space<vmem_shared>> -> memref<80x128xf32, #tpu.memory_space<vmem_shared>>
      %dma_wait3A_67 = arith.constant 0 : i32
      %dma_wait3A_68 = tpu.memref_slice %arg9[%add3A_26, %dma_wait3A_67] : memref<10240x128xf32, #tpu.memory_space<vmem_shared>> -> memref<80x128xf32, #tpu.memory_space<vmem_shared>>
      %dma_wait3A_69 = arith.constant 0 : i32
      %dma_wait3A_70 = arith.constant 0 : i32
      %dma_wait3A_71 = tpu.memref_slice %arg8[%run_scoped3A_27, %dma_wait3A_69, %dma_wait3A_70] : memref<3x80x128xf32, #tpu.memory_space<vmem>> -> memref<1x80x128xf32, #tpu.memory_space<vmem>>
      %dma_wait3A_72 = tpu.memref_squeeze %dma_wait3A_71 : memref<1x80x128xf32, #tpu.memory_space<vmem>> -> memref<80x128xf32, #tpu.memory_space<vmem>>
      tpu.wait_dma2 semaphore(%run_scoped3A_50 : memref<!tpu.dma_semaphore, #tpu.memory_space<semaphore_mem>>) src(%dma_wait3A_72 : memref<80x128xf32, #tpu.memory_space<vmem>>) dst(%dma_wait3A_68 : memref<80x128xf32, #tpu.memory_space<vmem_shared>>)
      tpu.yield
    }) : () -> ()
    %mul3A_28 = arith.constant 640 : i32
    %mul3A_29 = arith.muli %arg1, %mul3A_28 : i32
    %add3A_30 = arith.constant 400 : i32
    %add3A_31 = arith.addi %mul3A_29, %add3A_30 : i32
    %run_scoped3A_32 = arith.constant 0 : i32
    "tpu.region"() ({
      %run_scoped3A_50 = tpu.sem_alloc : memref<!tpu.dma_semaphore, #tpu.memory_space<semaphore_mem>>
      %dma_start3A = arith.constant 0 : i32
      %dma_start3A_51 = arith.constant 0 : i32
      %dma_start3A_52 = tpu.memref_slice %arg8[%run_scoped3A_32, %dma_start3A, %dma_start3A_51] : memref<3x80x128xf32, #tpu.memory_space<vmem>> -> memref<1x80x128xf32, #tpu.memory_space<vmem>>
      %dma_start3A_53 = tpu.memref_squeeze %dma_start3A_52 : memref<1x80x128xf32, #tpu.memory_space<vmem>> -> memref<80x128xf32, #tpu.memory_space<vmem>>
      %dma_start3A_54 = arith.constant 0 : i32
      %dma_start3A_55 = tpu.memref_slice %arg9[%add3A_31, %dma_start3A_54] : memref<10240x128xf32, #tpu.memory_space<vmem_shared>> -> memref<80x128xf32, #tpu.memory_space<vmem_shared>>
      %dma_start3A_56 = arith.constant 0 : i32
      %dma_start3A_57 = tpu.memref_slice %arg9[%add3A_31, %dma_start3A_56] : memref<10240x128xf32, #tpu.memory_space<vmem_shared>> -> memref<80x128xf32, #tpu.memory_space<vmem_shared>>
      %dma_start3A_58 = arith.constant 0 : i32
      %dma_start3A_59 = arith.constant 0 : i32
      %dma_start3A_60 = tpu.memref_slice %arg8[%run_scoped3A_32, %dma_start3A_58, %dma_start3A_59] : memref<3x80x128xf32, #tpu.memory_space<vmem>> -> memref<1x80x128xf32, #tpu.memory_space<vmem>>
      %dma_start3A_61 = tpu.memref_squeeze %dma_start3A_60 : memref<1x80x128xf32, #tpu.memory_space<vmem>> -> memref<80x128xf32, #tpu.memory_space<vmem>>
      tpu.enqueue_dma source(%dma_start3A_61 : memref<80x128xf32, #tpu.memory_space<vmem>>) target(%dma_start3A_57 : memref<80x128xf32, #tpu.memory_space<vmem_shared>>) target_semaphore(%run_scoped3A_50 : memref<!tpu.dma_semaphore, #tpu.memory_space<semaphore_mem>>)
      %dma_wait3A = arith.constant 0 : i32
      %dma_wait3A_62 = arith.constant 0 : i32
      %dma_wait3A_63 = tpu.memref_slice %arg8[%run_scoped3A_32, %dma_wait3A, %dma_wait3A_62] : memref<3x80x128xf32, #tpu.memory_space<vmem>> -> memref<1x80x128xf32, #tpu.memory_space<vmem>>
      %dma_wait3A_64 = tpu.memref_squeeze %dma_wait3A_63 : memref<1x80x128xf32, #tpu.memory_space<vmem>> -> memref<80x128xf32, #tpu.memory_space<vmem>>
      %dma_wait3A_65 = arith.constant 0 : i32
      %dma_wait3A_66 = tpu.memref_slice %arg9[%add3A_31, %dma_wait3A_65] : memref<10240x128xf32, #tpu.memory_space<vmem_shared>> -> memref<80x128xf32, #tpu.memory_space<vmem_shared>>
      %dma_wait3A_67 = arith.constant 0 : i32
      %dma_wait3A_68 = tpu.memref_slice %arg9[%add3A_31, %dma_wait3A_67] : memref<10240x128xf32, #tpu.memory_space<vmem_shared>> -> memref<80x128xf32, #tpu.memory_space<vmem_shared>>
      %dma_wait3A_69 = arith.constant 0 : i32
      %dma_wait3A_70 = arith.constant 0 : i32
      %dma_wait3A_71 = tpu.memref_slice %arg8[%run_scoped3A_32, %dma_wait3A_69, %dma_wait3A_70] : memref<3x80x128xf32, #tpu.memory_space<vmem>> -> memref<1x80x128xf32, #tpu.memory_space<vmem>>
      %dma_wait3A_72 = tpu.memref_squeeze %dma_wait3A_71 : memref<1x80x128xf32, #tpu.memory_space<vmem>> -> memref<80x128xf32, #tpu.memory_space<vmem>>
      tpu.wait_dma2 semaphore(%run_scoped3A_50 : memref<!tpu.dma_semaphore, #tpu.memory_space<semaphore_mem>>) src(%dma_wait3A_72 : memref<80x128xf32, #tpu.memory_space<vmem>>) dst(%dma_wait3A_68 : memref<80x128xf32, #tpu.memory_space<vmem_shared>>)
      tpu.yield
    }) : () -> ()
    %mul3A_33 = arith.constant 640 : i32
    %mul3A_34 = arith.muli %arg1, %mul3A_33 : i32
    %add3A_35 = arith.constant 480 : i32
    %add3A_36 = arith.addi %mul3A_34, %add3A_35 : i32
    %run_scoped3A_37 = arith.constant 0 : i32
    "tpu.region"() ({
      %run_scoped3A_50 = tpu.sem_alloc : memref<!tpu.dma_semaphore, #tpu.memory_space<semaphore_mem>>
      %dma_start3A = arith.constant 0 : i32
      %dma_start3A_51 = arith.constant 0 : i32
      %dma_start3A_52 = tpu.memref_slice %arg8[%run_scoped3A_37, %dma_start3A, %dma_start3A_51] : memref<3x80x128xf32, #tpu.memory_space<vmem>> -> memref<1x80x128xf32, #tpu.memory_space<vmem>>
      %dma_start3A_53 = tpu.memref_squeeze %dma_start3A_52 : memref<1x80x128xf32, #tpu.memory_space<vmem>> -> memref<80x128xf32, #tpu.memory_space<vmem>>
      %dma_start3A_54 = arith.constant 0 : i32
      %dma_start3A_55 = tpu.memref_slice %arg9[%add3A_36, %dma_start3A_54] : memref<10240x128xf32, #tpu.memory_space<vmem_shared>> -> memref<80x128xf32, #tpu.memory_space<vmem_shared>>
      %dma_start3A_56 = arith.constant 0 : i32
      %dma_start3A_57 = tpu.memref_slice %arg9[%add3A_36, %dma_start3A_56] : memref<10240x128xf32, #tpu.memory_space<vmem_shared>> -> memref<80x128xf32, #tpu.memory_space<vmem_shared>>
      %dma_start3A_58 = arith.constant 0 : i32
      %dma_start3A_59 = arith.constant 0 : i32
      %dma_start3A_60 = tpu.memref_slice %arg8[%run_scoped3A_37, %dma_start3A_58, %dma_start3A_59] : memref<3x80x128xf32, #tpu.memory_space<vmem>> -> memref<1x80x128xf32, #tpu.memory_space<vmem>>
      %dma_start3A_61 = tpu.memref_squeeze %dma_start3A_60 : memref<1x80x128xf32, #tpu.memory_space<vmem>> -> memref<80x128xf32, #tpu.memory_space<vmem>>
      tpu.enqueue_dma source(%dma_start3A_61 : memref<80x128xf32, #tpu.memory_space<vmem>>) target(%dma_start3A_57 : memref<80x128xf32, #tpu.memory_space<vmem_shared>>) target_semaphore(%run_scoped3A_50 : memref<!tpu.dma_semaphore, #tpu.memory_space<semaphore_mem>>)
      %dma_wait3A = arith.constant 0 : i32
      %dma_wait3A_62 = arith.constant 0 : i32
      %dma_wait3A_63 = tpu.memref_slice %arg8[%run_scoped3A_37, %dma_wait3A, %dma_wait3A_62] : memref<3x80x128xf32, #tpu.memory_space<vmem>> -> memref<1x80x128xf32, #tpu.memory_space<vmem>>
      %dma_wait3A_64 = tpu.memref_squeeze %dma_wait3A_63 : memref<1x80x128xf32, #tpu.memory_space<vmem>> -> memref<80x128xf32, #tpu.memory_space<vmem>>
      %dma_wait3A_65 = arith.constant 0 : i32
      %dma_wait3A_66 = tpu.memref_slice %arg9[%add3A_36, %dma_wait3A_65] : memref<10240x128xf32, #tpu.memory_space<vmem_shared>> -> memref<80x128xf32, #tpu.memory_space<vmem_shared>>
      %dma_wait3A_67 = arith.constant 0 : i32
      %dma_wait3A_68 = tpu.memref_slice %arg9[%add3A_36, %dma_wait3A_67] : memref<10240x128xf32, #tpu.memory_space<vmem_shared>> -> memref<80x128xf32, #tpu.memory_space<vmem_shared>>
      %dma_wait3A_69 = arith.constant 0 : i32
      %dma_wait3A_70 = arith.constant 0 : i32
      %dma_wait3A_71 = tpu.memref_slice %arg8[%run_scoped3A_37, %dma_wait3A_69, %dma_wait3A_70] : memref<3x80x128xf32, #tpu.memory_space<vmem>> -> memref<1x80x128xf32, #tpu.memory_space<vmem>>
      %dma_wait3A_72 = tpu.memref_squeeze %dma_wait3A_71 : memref<1x80x128xf32, #tpu.memory_space<vmem>> -> memref<80x128xf32, #tpu.memory_space<vmem>>
      tpu.wait_dma2 semaphore(%run_scoped3A_50 : memref<!tpu.dma_semaphore, #tpu.memory_space<semaphore_mem>>) src(%dma_wait3A_72 : memref<80x128xf32, #tpu.memory_space<vmem>>) dst(%dma_wait3A_68 : memref<80x128xf32, #tpu.memory_space<vmem_shared>>)
      tpu.yield
    }) : () -> ()
    %mul3A_38 = arith.constant 640 : i32
    %mul3A_39 = arith.muli %arg1, %mul3A_38 : i32
    %add3A_40 = arith.constant 560 : i32
    %add3A_41 = arith.addi %mul3A_39, %add3A_40 : i32
    %run_scoped3A_42 = arith.constant 0 : i32
    "tpu.region"() ({
      %run_scoped3A_50 = tpu.sem_alloc : memref<!tpu.dma_semaphore, #tpu.memory_space<semaphore_mem>>
      %dma_start3A = arith.constant 0 : i32
      %dma_start3A_51 = arith.constant 0 : i32
      %dma_start3A_52 = tpu.memref_slice %arg8[%run_scoped3A_42, %dma_start3A, %dma_start3A_51] : memref<3x80x128xf32, #tpu.memory_space<vmem>> -> memref<1x80x128xf32, #tpu.memory_space<vmem>>
      %dma_start3A_53 = tpu.memref_squeeze %dma_start3A_52 : memref<1x80x128xf32, #tpu.memory_space<vmem>> -> memref<80x128xf32, #tpu.memory_space<vmem>>
      %dma_start3A_54 = arith.constant 0 : i32
      %dma_start3A_55 = tpu.memref_slice %arg9[%add3A_41, %dma_start3A_54] : memref<10240x128xf32, #tpu.memory_space<vmem_shared>> -> memref<80x128xf32, #tpu.memory_space<vmem_shared>>
      %dma_start3A_56 = arith.constant 0 : i32
      %dma_start3A_57 = tpu.memref_slice %arg9[%add3A_41, %dma_start3A_56] : memref<10240x128xf32, #tpu.memory_space<vmem_shared>> -> memref<80x128xf32, #tpu.memory_space<vmem_shared>>
      %dma_start3A_58 = arith.constant 0 : i32
      %dma_start3A_59 = arith.constant 0 : i32
      %dma_start3A_60 = tpu.memref_slice %arg8[%run_scoped3A_42, %dma_start3A_58, %dma_start3A_59] : memref<3x80x128xf32, #tpu.memory_space<vmem>> -> memref<1x80x128xf32, #tpu.memory_space<vmem>>
      %dma_start3A_61 = tpu.memref_squeeze %dma_start3A_60 : memref<1x80x128xf32, #tpu.memory_space<vmem>> -> memref<80x128xf32, #tpu.memory_space<vmem>>
      tpu.enqueue_dma source(%dma_start3A_61 : memref<80x128xf32, #tpu.memory_space<vmem>>) target(%dma_start3A_57 : memref<80x128xf32, #tpu.memory_space<vmem_shared>>) target_semaphore(%run_scoped3A_50 : memref<!tpu.dma_semaphore, #tpu.memory_space<semaphore_mem>>)
      %dma_wait3A = arith.constant 0 : i32
      %dma_wait3A_62 = arith.constant 0 : i32
      %dma_wait3A_63 = tpu.memref_slice %arg8[%run_scoped3A_42, %dma_wait3A, %dma_wait3A_62] : memref<3x80x128xf32, #tpu.memory_space<vmem>> -> memref<1x80x128xf32, #tpu.memory_space<vmem>>
      %dma_wait3A_64 = tpu.memref_squeeze %dma_wait3A_63 : memref<1x80x128xf32, #tpu.memory_space<vmem>> -> memref<80x128xf32, #tpu.memory_space<vmem>>
      %dma_wait3A_65 = arith.constant 0 : i32
      %dma_wait3A_66 = tpu.memref_slice %arg9[%add3A_41, %dma_wait3A_65] : memref<10240x128xf32, #tpu.memory_space<vmem_shared>> -> memref<80x128xf32, #tpu.memory_space<vmem_shared>>
      %dma_wait3A_67 = arith.constant 0 : i32
      %dma_wait3A_68 = tpu.memref_slice %arg9[%add3A_41, %dma_wait3A_67] : memref<10240x128xf32, #tpu.memory_space<vmem_shared>> -> memref<80x128xf32, #tpu.memory_space<vmem_shared>>
      %dma_wait3A_69 = arith.constant 0 : i32
      %dma_wait3A_70 = arith.constant 0 : i32
      %dma_wait3A_71 = tpu.memref_slice %arg8[%run_scoped3A_42, %dma_wait3A_69, %dma_wait3A_70] : memref<3x80x128xf32, #tpu.memory_space<vmem>> -> memref<1x80x128xf32, #tpu.memory_space<vmem>>
      %dma_wait3A_72 = tpu.memref_squeeze %dma_wait3A_71 : memref<1x80x128xf32, #tpu.memory_space<vmem>> -> memref<80x128xf32, #tpu.memory_space<vmem>>
      tpu.wait_dma2 semaphore(%run_scoped3A_50 : memref<!tpu.dma_semaphore, #tpu.memory_space<semaphore_mem>>) src(%dma_wait3A_72 : memref<80x128xf32, #tpu.memory_space<vmem>>) dst(%dma_wait3A_68 : memref<80x128xf32, #tpu.memory_space<vmem_shared>>)
      tpu.yield
    }) : () -> ()
    %barrier3A = arith.constant 0 : index
    tpu.barrier barrier_id(%barrier3A)
    %eq3A = arith.constant 0 : i32
    %eq3A_43 = arith.cmpi eq, %arg0, %eq3A : i32
    %convert_element_type3A = arith.extui %eq3A_43 : i1 to i32
    %cond3A = arith.constant 0 : i32
    %cond3A_44 = arith.cmpi ne, %convert_element_type3A, %cond3A : i32
    scf.if %cond3A_44 {
      %run_scoped3A_50 = arith.constant 0 : i32
      %run_scoped3A_51 = arith.constant 0 : i32
      "tpu.region"() ({
        %run_scoped3A_138 = tpu.sem_alloc : memref<!tpu.dma_semaphore, #tpu.memory_space<semaphore_mem>>
        %dma_start3A_139 = arith.constant 0 : i32
        %dma_start3A_140 = arith.constant 0 : i32
        %dma_start3A_141 = tpu.memref_slice %arg7[%run_scoped3A_51, %dma_start3A_139, %dma_start3A_140] : memref<5x3x80xi32, #tpu.memory_space<vmem>> -> memref<1x3x80xi32, #tpu.memory_space<vmem>>
        %dma_start3A_142 = tpu.memref_squeeze %dma_start3A_141 : memref<1x3x80xi32, #tpu.memory_space<vmem>> -> memref<3x80xi32, #tpu.memory_space<vmem>>
        %dma_start3A_143 = arith.constant 0 : i32
        %dma_start3A_144 = arith.constant 0 : i32
        %dma_start3A_145 = tpu.memref_slice %arg4[%arg1, %run_scoped3A_50, %dma_start3A_143, %dma_start3A_144] : memref<16x125x3x80xi32, #tpu.memory_space<hbm>> -> memref<1x1x3x80xi32, #tpu.memory_space<hbm>>
        %dma_start3A_146 = tpu.memref_squeeze %dma_start3A_145 : memref<1x1x3x80xi32, #tpu.memory_space<hbm>> -> memref<3x80xi32, #tpu.memory_space<hbm>>
        %dma_start3A_147 = arith.constant 0 : i32
        %dma_start3A_148 = arith.constant 0 : i32
        %dma_start3A_149 = tpu.memref_slice %arg7[%run_scoped3A_51, %dma_start3A_147, %dma_start3A_148] : memref<5x3x80xi32, #tpu.memory_space<vmem>> -> memref<1x3x80xi32, #tpu.memory_space<vmem>>
        %dma_start3A_150 = tpu.memref_squeeze %dma_start3A_149 : memref<1x3x80xi32, #tpu.memory_space<vmem>> -> memref<3x80xi32, #tpu.memory_space<vmem>>
        %dma_start3A_151 = arith.constant 0 : i32
        %dma_start3A_152 = arith.constant 0 : i32
        %dma_start3A_153 = tpu.memref_slice %arg4[%arg1, %run_scoped3A_50, %dma_start3A_151, %dma_start3A_152] : memref<16x125x3x80xi32, #tpu.memory_space<hbm>> -> memref<1x1x3x80xi32, #tpu.memory_space<hbm>>
        %dma_start3A_154 = tpu.memref_squeeze %dma_start3A_153 : memref<1x1x3x80xi32, #tpu.memory_space<hbm>> -> memref<3x80xi32, #tpu.memory_space<hbm>>
        tpu.enqueue_dma source(%dma_start3A_154 : memref<3x80xi32, #tpu.memory_space<hbm>>) target(%dma_start3A_150 : memref<3x80xi32, #tpu.memory_space<vmem>>) target_semaphore(%run_scoped3A_138 : memref<!tpu.dma_semaphore, #tpu.memory_space<semaphore_mem>>)
        %dma_wait3A_155 = arith.constant 0 : i32
        %dma_wait3A_156 = arith.constant 0 : i32
        %dma_wait3A_157 = tpu.memref_slice %arg7[%run_scoped3A_51, %dma_wait3A_155, %dma_wait3A_156] : memref<5x3x80xi32, #tpu.memory_space<vmem>> -> memref<1x3x80xi32, #tpu.memory_space<vmem>>
        %dma_wait3A_158 = tpu.memref_squeeze %dma_wait3A_157 : memref<1x3x80xi32, #tpu.memory_space<vmem>> -> memref<3x80xi32, #tpu.memory_space<vmem>>
        %dma_wait3A_159 = arith.constant 0 : i32
        %dma_wait3A_160 = arith.constant 0 : i32
        %dma_wait3A_161 = tpu.memref_slice %arg4[%arg1, %run_scoped3A_50, %dma_wait3A_159, %dma_wait3A_160] : memref<16x125x3x80xi32, #tpu.memory_space<hbm>> -> memref<1x1x3x80xi32, #tpu.memory_space<hbm>>
        %dma_wait3A_162 = tpu.memref_squeeze %dma_wait3A_161 : memref<1x1x3x80xi32, #tpu.memory_space<hbm>> -> memref<3x80xi32, #tpu.memory_space<hbm>>
        %dma_wait3A_163 = arith.constant 0 : i32
        %dma_wait3A_164 = arith.constant 0 : i32
        %dma_wait3A_165 = tpu.memref_slice %arg7[%run_scoped3A_51, %dma_wait3A_163, %dma_wait3A_164] : memref<5x3x80xi32, #tpu.memory_space<vmem>> -> memref<1x3x80xi32, #tpu.memory_space<vmem>>
        %dma_wait3A_166 = tpu.memref_squeeze %dma_wait3A_165 : memref<1x3x80xi32, #tpu.memory_space<vmem>> -> memref<3x80xi32, #tpu.memory_space<vmem>>
        %dma_wait3A_167 = arith.constant 0 : i32
        %dma_wait3A_168 = arith.constant 0 : i32
        %dma_wait3A_169 = tpu.memref_slice %arg4[%arg1, %run_scoped3A_50, %dma_wait3A_167, %dma_wait3A_168] : memref<16x125x3x80xi32, #tpu.memory_space<hbm>> -> memref<1x1x3x80xi32, #tpu.memory_space<hbm>>
        %dma_wait3A_170 = tpu.memref_squeeze %dma_wait3A_169 : memref<1x1x3x80xi32, #tpu.memory_space<hbm>> -> memref<3x80xi32, #tpu.memory_space<hbm>>
        tpu.wait_dma2 semaphore(%run_scoped3A_138 : memref<!tpu.dma_semaphore, #tpu.memory_space<semaphore_mem>>) src(%dma_wait3A_170 : memref<3x80xi32, #tpu.memory_space<hbm>>) dst(%dma_wait3A_166 : memref<3x80xi32, #tpu.memory_space<vmem>>)
        tpu.yield
      }) : () -> ()
      %run_scoped3A_52 = arith.constant 1 : i32
      %run_scoped3A_53 = arith.constant 1 : i32
      "tpu.region"() ({
        %run_scoped3A_138 = tpu.sem_alloc : memref<!tpu.dma_semaphore, #tpu.memory_space<semaphore_mem>>
        %dma_start3A_139 = arith.constant 0 : i32
        %dma_start3A_140 = arith.constant 0 : i32
        %dma_start3A_141 = tpu.memref_slice %arg7[%run_scoped3A_53, %dma_start3A_139, %dma_start3A_140] : memref<5x3x80xi32, #tpu.memory_space<vmem>> -> memref<1x3x80xi32, #tpu.memory_space<vmem>>
        %dma_start3A_142 = tpu.memref_squeeze %dma_start3A_141 : memref<1x3x80xi32, #tpu.memory_space<vmem>> -> memref<3x80xi32, #tpu.memory_space<vmem>>
        %dma_start3A_143 = arith.constant 0 : i32
        %dma_start3A_144 = arith.constant 0 : i32
        %dma_start3A_145 = tpu.memref_slice %arg4[%arg1, %run_scoped3A_52, %dma_start3A_143, %dma_start3A_144] : memref<16x125x3x80xi32, #tpu.memory_space<hbm>> -> memref<1x1x3x80xi32, #tpu.memory_space<hbm>>
        %dma_start3A_146 = tpu.memref_squeeze %dma_start3A_145 : memref<1x1x3x80xi32, #tpu.memory_space<hbm>> -> memref<3x80xi32, #tpu.memory_space<hbm>>
        %dma_start3A_147 = arith.constant 0 : i32
        %dma_start3A_148 = arith.constant 0 : i32
        %dma_start3A_149 = tpu.memref_slice %arg7[%run_scoped3A_53, %dma_start3A_147, %dma_start3A_148] : memref<5x3x80xi32, #tpu.memory_space<vmem>> -> memref<1x3x80xi32, #tpu.memory_space<vmem>>
        %dma_start3A_150 = tpu.memref_squeeze %dma_start3A_149 : memref<1x3x80xi32, #tpu.memory_space<vmem>> -> memref<3x80xi32, #tpu.memory_space<vmem>>
        %dma_start3A_151 = arith.constant 0 : i32
        %dma_start3A_152 = arith.constant 0 : i32
        %dma_start3A_153 = tpu.memref_slice %arg4[%arg1, %run_scoped3A_52, %dma_start3A_151, %dma_start3A_152] : memref<16x125x3x80xi32, #tpu.memory_space<hbm>> -> memref<1x1x3x80xi32, #tpu.memory_space<hbm>>
        %dma_start3A_154 = tpu.memref_squeeze %dma_start3A_153 : memref<1x1x3x80xi32, #tpu.memory_space<hbm>> -> memref<3x80xi32, #tpu.memory_space<hbm>>
        tpu.enqueue_dma source(%dma_start3A_154 : memref<3x80xi32, #tpu.memory_space<hbm>>) target(%dma_start3A_150 : memref<3x80xi32, #tpu.memory_space<vmem>>) target_semaphore(%run_scoped3A_138 : memref<!tpu.dma_semaphore, #tpu.memory_space<semaphore_mem>>)
        %dma_wait3A_155 = arith.constant 0 : i32
        %dma_wait3A_156 = arith.constant 0 : i32
        %dma_wait3A_157 = tpu.memref_slice %arg7[%run_scoped3A_53, %dma_wait3A_155, %dma_wait3A_156] : memref<5x3x80xi32, #tpu.memory_space<vmem>> -> memref<1x3x80xi32, #tpu.memory_space<vmem>>
        %dma_wait3A_158 = tpu.memref_squeeze %dma_wait3A_157 : memref<1x3x80xi32, #tpu.memory_space<vmem>> -> memref<3x80xi32, #tpu.memory_space<vmem>>
        %dma_wait3A_159 = arith.constant 0 : i32
        %dma_wait3A_160 = arith.constant 0 : i32
        %dma_wait3A_161 = tpu.memref_slice %arg4[%arg1, %run_scoped3A_52, %dma_wait3A_159, %dma_wait3A_160] : memref<16x125x3x80xi32, #tpu.memory_space<hbm>> -> memref<1x1x3x80xi32, #tpu.memory_space<hbm>>
        %dma_wait3A_162 = tpu.memref_squeeze %dma_wait3A_161 : memref<1x1x3x80xi32, #tpu.memory_space<hbm>> -> memref<3x80xi32, #tpu.memory_space<hbm>>
        %dma_wait3A_163 = arith.constant 0 : i32
        %dma_wait3A_164 = arith.constant 0 : i32
        %dma_wait3A_165 = tpu.memref_slice %arg7[%run_scoped3A_53, %dma_wait3A_163, %dma_wait3A_164] : memref<5x3x80xi32, #tpu.memory_space<vmem>> -> memref<1x3x80xi32, #tpu.memory_space<vmem>>
        %dma_wait3A_166 = tpu.memref_squeeze %dma_wait3A_165 : memref<1x3x80xi32, #tpu.memory_space<vmem>> -> memref<3x80xi32, #tpu.memory_space<vmem>>
        %dma_wait3A_167 = arith.constant 0 : i32
        %dma_wait3A_168 = arith.constant 0 : i32
        %dma_wait3A_169 = tpu.memref_slice %arg4[%arg1, %run_scoped3A_52, %dma_wait3A_167, %dma_wait3A_168] : memref<16x125x3x80xi32, #tpu.memory_space<hbm>> -> memref<1x1x3x80xi32, #tpu.memory_space<hbm>>
        %dma_wait3A_170 = tpu.memref_squeeze %dma_wait3A_169 : memref<1x1x3x80xi32, #tpu.memory_space<hbm>> -> memref<3x80xi32, #tpu.memory_space<hbm>>
        tpu.wait_dma2 semaphore(%run_scoped3A_138 : memref<!tpu.dma_semaphore, #tpu.memory_space<semaphore_mem>>) src(%dma_wait3A_170 : memref<3x80xi32, #tpu.memory_space<hbm>>) dst(%dma_wait3A_166 : memref<3x80xi32, #tpu.memory_space<vmem>>)
        tpu.yield
      }) : () -> ()
      %dma_start3A = arith.constant 2 : i32
      %dma_start3A_54 = arith.constant 2 : i32
      %dma_start3A_55 = arith.constant 0 : i32
      %dma_start3A_56 = arith.constant 0 : i32
      %dma_start3A_57 = tpu.memref_slice %arg7[%dma_start3A_54, %dma_start3A_55, %dma_start3A_56] : memref<5x3x80xi32, #tpu.memory_space<vmem>> -> memref<1x3x80xi32, #tpu.memory_space<vmem>>
      %dma_start3A_58 = tpu.memref_squeeze %dma_start3A_57 : memref<1x3x80xi32, #tpu.memory_space<vmem>> -> memref<3x80xi32, #tpu.memory_space<vmem>>
      %dma_start3A_59 = arith.constant 0 : i32
      %dma_start3A_60 = arith.constant 0 : i32
      %dma_start3A_61 = tpu.memref_slice %arg4[%arg1, %dma_start3A, %dma_start3A_59, %dma_start3A_60] : memref<16x125x3x80xi32, #tpu.memory_space<hbm>> -> memref<1x1x3x80xi32, #tpu.memory_space<hbm>>
      %dma_start3A_62 = tpu.memref_squeeze %dma_start3A_61 : memref<1x1x3x80xi32, #tpu.memory_space<hbm>> -> memref<3x80xi32, #tpu.memory_space<hbm>>
      %dma_start3A_63 = arith.constant 0 : i32
      %dma_start3A_64 = arith.constant 0 : i32
      %dma_start3A_65 = tpu.memref_slice %arg7[%dma_start3A_54, %dma_start3A_63, %dma_start3A_64] : memref<5x3x80xi32, #tpu.memory_space<vmem>> -> memref<1x3x80xi32, #tpu.memory_space<vmem>>
      %dma_start3A_66 = tpu.memref_squeeze %dma_start3A_65 : memref<1x3x80xi32, #tpu.memory_space<vmem>> -> memref<3x80xi32, #tpu.memory_space<vmem>>
      %dma_start3A_67 = arith.constant 0 : i32
      %dma_start3A_68 = arith.constant 0 : i32
      %dma_start3A_69 = tpu.memref_slice %arg4[%arg1, %dma_start3A, %dma_start3A_67, %dma_start3A_68] : memref<16x125x3x80xi32, #tpu.memory_space<hbm>> -> memref<1x1x3x80xi32, #tpu.memory_space<hbm>>
      %dma_start3A_70 = tpu.memref_squeeze %dma_start3A_69 : memref<1x1x3x80xi32, #tpu.memory_space<hbm>> -> memref<3x80xi32, #tpu.memory_space<hbm>>
      tpu.enqueue_dma source(%dma_start3A_70 : memref<3x80xi32, #tpu.memory_space<hbm>>) target(%dma_start3A_66 : memref<3x80xi32, #tpu.memory_space<vmem>>) target_semaphore(%arg11 : memref<!tpu.dma_semaphore, #tpu.memory_space<semaphore_mem>>)
      %dma_start3A_71 = arith.constant 3 : i32
      %dma_start3A_72 = arith.constant 3 : i32
      %dma_start3A_73 = arith.constant 0 : i32
      %dma_start3A_74 = arith.constant 0 : i32
      %dma_start3A_75 = tpu.memref_slice %arg7[%dma_start3A_72, %dma_start3A_73, %dma_start3A_74] : memref<5x3x80xi32, #tpu.memory_space<vmem>> -> memref<1x3x80xi32, #tpu.memory_space<vmem>>
      %dma_start3A_76 = tpu.memref_squeeze %dma_start3A_75 : memref<1x3x80xi32, #tpu.memory_space<vmem>> -> memref<3x80xi32, #tpu.memory_space<vmem>>
      %dma_start3A_77 = arith.constant 0 : i32
      %dma_start3A_78 = arith.constant 0 : i32
      %dma_start3A_79 = tpu.memref_slice %arg4[%arg1, %dma_start3A_71, %dma_start3A_77, %dma_start3A_78] : memref<16x125x3x80xi32, #tpu.memory_space<hbm>> -> memref<1x1x3x80xi32, #tpu.memory_space<hbm>>
      %dma_start3A_80 = tpu.memref_squeeze %dma_start3A_79 : memref<1x1x3x80xi32, #tpu.memory_space<hbm>> -> memref<3x80xi32, #tpu.memory_space<hbm>>
      %dma_start3A_81 = arith.constant 0 : i32
      %dma_start3A_82 = arith.constant 0 : i32
      %dma_start3A_83 = tpu.memref_slice %arg7[%dma_start3A_72, %dma_start3A_81, %dma_start3A_82] : memref<5x3x80xi32, #tpu.memory_space<vmem>> -> memref<1x3x80xi32, #tpu.memory_space<vmem>>
      %dma_start3A_84 = tpu.memref_squeeze %dma_start3A_83 : memref<1x3x80xi32, #tpu.memory_space<vmem>> -> memref<3x80xi32, #tpu.memory_space<vmem>>
      %dma_start3A_85 = arith.constant 0 : i32
      %dma_start3A_86 = arith.constant 0 : i32
      %dma_start3A_87 = tpu.memref_slice %arg4[%arg1, %dma_start3A_71, %dma_start3A_85, %dma_start3A_86] : memref<16x125x3x80xi32, #tpu.memory_space<hbm>> -> memref<1x1x3x80xi32, #tpu.memory_space<hbm>>
      %dma_start3A_88 = tpu.memref_squeeze %dma_start3A_87 : memref<1x1x3x80xi32, #tpu.memory_space<hbm>> -> memref<3x80xi32, #tpu.memory_space<hbm>>
      tpu.enqueue_dma source(%dma_start3A_88 : memref<3x80xi32, #tpu.memory_space<hbm>>) target(%dma_start3A_84 : memref<3x80xi32, #tpu.memory_space<vmem>>) target_semaphore(%arg11 : memref<!tpu.dma_semaphore, #tpu.memory_space<semaphore_mem>>)
      %dma_start3A_89 = arith.constant 0 : i32
      %dma_start3A_90 = arith.constant 0 : i32
      %dma_start3A_91 = arith.constant 0 : i32
      %dma_start3A_92 = arith.constant 0 : i32
      %dma_start3A_93 = arith.constant 0 : i32
      %dma_start3A_94 = tpu.memref_slice %arg8[%dma_start3A_91, %dma_start3A_92, %dma_start3A_93] : memref<3x80x128xf32, #tpu.memory_space<vmem>> -> memref<1x80x128xf32, #tpu.memory_space<vmem>>
      %dma_start3A_95 = tpu.memref_squeeze %dma_start3A_94 : memref<1x80x128xf32, #tpu.memory_space<vmem>> -> memref<80x128xf32, #tpu.memory_space<vmem>>
      %dma_start3A_96 = arith.constant 0 : i32
      %dma_start3A_97 = tpu.memref_slice %arg7[%dma_start3A_89, %dma_start3A_90, %dma_start3A_96] : memref<5x3x80xi32, #tpu.memory_space<vmem>> -> memref<1x1x80xi32, #tpu.memory_space<vmem>>
      %dma_start3A_98 = tpu.memref_squeeze %dma_start3A_97 : memref<1x1x80xi32, #tpu.memory_space<vmem>> -> memref<80xi32, #tpu.memory_space<vmem>>
      %dma_start3A_99 = arith.constant 0 : i32
      %dma_start3A_100 = arith.constant 0 : i32
      %dma_start3A_101 = tpu.memref_slice %arg2[%dma_start3A_99, %dma_start3A_100] : memref<10000x128xf32, #tpu.memory_space<hbm>> -> memref<10000x128xf32, #tpu.memory_space<hbm>>
      tpu.enqueue_indirect_dma source(%dma_start3A_101 : memref<10000x128xf32, #tpu.memory_space<hbm>>) target(%dma_start3A_95 : memref<80x128xf32, #tpu.memory_space<vmem>>) offsets(%dma_start3A_98 : memref<80xi32, #tpu.memory_space<vmem>>) semaphore(%arg10 : memref<!tpu.dma_semaphore, #tpu.memory_space<semaphore_mem>>)
      %dma_start3A_102 = arith.constant 1 : i32
      %dma_start3A_103 = arith.constant 0 : i32
      %dma_start3A_104 = arith.constant 1 : i32
      %dma_start3A_105 = arith.constant 0 : i32
      %dma_start3A_106 = arith.constant 0 : i32
      %dma_start3A_107 = tpu.memref_slice %arg8[%dma_start3A_104, %dma_start3A_105, %dma_start3A_106] : memref<3x80x128xf32, #tpu.memory_space<vmem>> -> memref<1x80x128xf32, #tpu.memory_space<vmem>>
      %dma_start3A_108 = tpu.memref_squeeze %dma_start3A_107 : memref<1x80x128xf32, #tpu.memory_space<vmem>> -> memref<80x128xf32, #tpu.memory_space<vmem>>
      %dma_start3A_109 = arith.constant 0 : i32
      %dma_start3A_110 = tpu.memref_slice %arg7[%dma_start3A_102, %dma_start3A_103, %dma_start3A_109] : memref<5x3x80xi32, #tpu.memory_space<vmem>> -> memref<1x1x80xi32, #tpu.memory_space<vmem>>
      %dma_start3A_111 = tpu.memref_squeeze %dma_start3A_110 : memref<1x1x80xi32, #tpu.memory_space<vmem>> -> memref<80xi32, #tpu.memory_space<vmem>>
      %dma_start3A_112 = arith.constant 0 : i32
      %dma_start3A_113 = arith.constant 0 : i32
      %dma_start3A_114 = tpu.memref_slice %arg2[%dma_start3A_112, %dma_start3A_113] : memref<10000x128xf32, #tpu.memory_space<hbm>> -> memref<10000x128xf32, #tpu.memory_space<hbm>>
      tpu.enqueue_indirect_dma source(%dma_start3A_114 : memref<10000x128xf32, #tpu.memory_space<hbm>>) target(%dma_start3A_108 : memref<80x128xf32, #tpu.memory_space<vmem>>) offsets(%dma_start3A_111 : memref<80xi32, #tpu.memory_space<vmem>>) semaphore(%arg10 : memref<!tpu.dma_semaphore, #tpu.memory_space<semaphore_mem>>)
      %scan3A_115 = arith.constant 0 : i32
      %scan3A_116 = arith.constant 0 : i32
      %scan3A_117 = arith.constant 125 : i32
      %scan3A_118 = arith.addi %scan3A_116, %scan3A_117 : i32
      %scan3A_119 = arith.constant 1 : i32
      scf.for %scan3A_138 = %scan3A_116 to %scan3A_118 step %scan3A_119  : i32 {
        %rem3A = arith.constant 3 : i32
        %rem3A_139 = arith.remsi %scan3A_138, %rem3A : i32
        %add3A_140 = arith.constant 2 : i32
        %add3A_141 = arith.addi %scan3A_138, %add3A_140 : i32
        %rem3A_142 = arith.constant 3 : i32
        %rem3A_143 = arith.remsi %add3A_141, %rem3A_142 : i32
        %rem3A_144 = arith.constant 5 : i32
        %rem3A_145 = arith.remsi %scan3A_138, %rem3A_144 : i32
        %add3A_146 = arith.constant 2 : i32
        %add3A_147 = arith.addi %scan3A_138, %add3A_146 : i32
        %rem3A_148 = arith.constant 5 : i32
        %rem3A_149 = arith.remsi %add3A_147, %rem3A_148 : i32
        %add3A_150 = arith.constant 4 : i32
        %add3A_151 = arith.addi %scan3A_138, %add3A_150 : i32
        %rem3A_152 = arith.constant 5 : i32
        %rem3A_153 = arith.remsi %add3A_151, %rem3A_152 : i32
        %lt3A = arith.constant 123 : i32
        %lt3A_154 = arith.cmpi slt, %scan3A_138, %lt3A : i32
        %convert_element_type3A_155 = arith.extui %lt3A_154 : i1 to i32
        %cond3A_156 = arith.constant 0 : i32
        %cond3A_157 = arith.cmpi ne, %convert_element_type3A_155, %cond3A_156 : i32
        scf.if %cond3A_157 {
          %dma_wait3A_199 = arith.constant 0 : i32
          %dma_wait3A_200 = arith.constant 0 : i32
          %dma_wait3A_201 = arith.constant 0 : i32
          %dma_wait3A_202 = tpu.memref_slice %arg7[%rem3A_149, %dma_wait3A_200, %dma_wait3A_201] : memref<5x3x80xi32, #tpu.memory_space<vmem>> -> memref<1x3x80xi32, #tpu.memory_space<vmem>>
          %dma_wait3A_203 = tpu.memref_squeeze %dma_wait3A_202 : memref<1x3x80xi32, #tpu.memory_space<vmem>> -> memref<3x80xi32, #tpu.memory_space<vmem>>
          %dma_wait3A_204 = arith.constant 0 : i32
          %dma_wait3A_205 = arith.constant 0 : i32
          %dma_wait3A_206 = tpu.memref_slice %arg4[%arg1, %dma_wait3A_199, %dma_wait3A_204, %dma_wait3A_205] : memref<16x125x3x80xi32, #tpu.memory_space<hbm>> -> memref<1x1x3x80xi32, #tpu.memory_space<hbm>>
          %dma_wait3A_207 = tpu.memref_squeeze %dma_wait3A_206 : memref<1x1x3x80xi32, #tpu.memory_space<hbm>> -> memref<3x80xi32, #tpu.memory_space<hbm>>
          %dma_wait3A_208 = arith.constant 0 : i32
          %dma_wait3A_209 = arith.constant 0 : i32
          %dma_wait3A_210 = tpu.memref_slice %arg7[%rem3A_149, %dma_wait3A_208, %dma_wait3A_209] : memref<5x3x80xi32, #tpu.memory_space<vmem>> -> memref<1x3x80xi32, #tpu.memory_space<vmem>>
          %dma_wait3A_211 = tpu.memref_squeeze %dma_wait3A_210 : memref<1x3x80xi32, #tpu.memory_space<vmem>> -> memref<3x80xi32, #tpu.memory_space<vmem>>
          %dma_wait3A_212 = arith.constant 0 : i32
          %dma_wait3A_213 = arith.constant 0 : i32
          %dma_wait3A_214 = tpu.memref_slice %arg4[%arg1, %dma_wait3A_199, %dma_wait3A_212, %dma_wait3A_213] : memref<16x125x3x80xi32, #tpu.memory_space<hbm>> -> memref<1x1x3x80xi32, #tpu.memory_space<hbm>>
          %dma_wait3A_215 = tpu.memref_squeeze %dma_wait3A_214 : memref<1x1x3x80xi32, #tpu.memory_space<hbm>> -> memref<3x80xi32, #tpu.memory_space<hbm>>
          tpu.wait_dma2 semaphore(%arg11 : memref<!tpu.dma_semaphore, #tpu.memory_space<semaphore_mem>>) src(%dma_wait3A_215 : memref<3x80xi32, #tpu.memory_space<hbm>>) dst(%dma_wait3A_211 : memref<3x80xi32, #tpu.memory_space<vmem>>)
        } else {
        }
        %ge3A = arith.constant 1 : i32
        %ge3A_158 = arith.cmpi sge, %scan3A_138, %ge3A : i32
        %convert_element_type3A_159 = arith.extui %ge3A_158 : i1 to i32
        %cond3A_160 = arith.constant 0 : i32
        %cond3A_161 = arith.cmpi ne, %convert_element_type3A_159, %cond3A_160 : i32
        scf.if %cond3A_161 {
          %dma_wait3A_199 = arith.constant 0 : i32
          %dma_wait3A_200 = arith.constant 0 : i32
          %dma_wait3A_201 = tpu.memref_slice %arg8[%rem3A_143, %dma_wait3A_199, %dma_wait3A_200] : memref<3x80x128xf32, #tpu.memory_space<vmem>> -> memref<1x80x128xf32, #tpu.memory_space<vmem>>
          %dma_wait3A_202 = tpu.memref_squeeze %dma_wait3A_201 : memref<1x80x128xf32, #tpu.memory_space<vmem>> -> memref<80x128xf32, #tpu.memory_space<vmem>>
          %dma_wait3A_203 = arith.constant 0 : i32
          %dma_wait3A_204 = arith.constant 0 : i32
          %dma_wait3A_205 = tpu.memref_slice %arg9[%dma_wait3A_203, %dma_wait3A_204] : memref<10240x128xf32, #tpu.memory_space<vmem_shared>> -> memref<80x128xf32, #tpu.memory_space<vmem_shared>>
          %dma_wait3A_206 = arith.constant 0 : i32
          %dma_wait3A_207 = arith.constant 0 : i32
          %dma_wait3A_208 = tpu.memref_slice %arg9[%dma_wait3A_206, %dma_wait3A_207] : memref<10240x128xf32, #tpu.memory_space<vmem_shared>> -> memref<80x128xf32, #tpu.memory_space<vmem_shared>>
          %dma_wait3A_209 = arith.constant 0 : i32
          %dma_wait3A_210 = arith.constant 0 : i32
          %dma_wait3A_211 = tpu.memref_slice %arg8[%rem3A_143, %dma_wait3A_209, %dma_wait3A_210] : memref<3x80x128xf32, #tpu.memory_space<vmem>> -> memref<1x80x128xf32, #tpu.memory_space<vmem>>
          %dma_wait3A_212 = tpu.memref_squeeze %dma_wait3A_211 : memref<1x80x128xf32, #tpu.memory_space<vmem>> -> memref<80x128xf32, #tpu.memory_space<vmem>>
          tpu.wait_dma2 semaphore(%arg12 : memref<!tpu.dma_semaphore, #tpu.memory_space<semaphore_mem>>) src(%dma_wait3A_212 : memref<80x128xf32, #tpu.memory_space<vmem>>) dst(%dma_wait3A_208 : memref<80x128xf32, #tpu.memory_space<vmem_shared>>)
        } else {
        }
        %lt3A_162 = arith.constant 123 : i32
        %lt3A_163 = arith.cmpi slt, %scan3A_138, %lt3A_162 : i32
        %convert_element_type3A_164 = arith.extui %lt3A_163 : i1 to i32
        %cond3A_165 = arith.constant 0 : i32
        %cond3A_166 = arith.cmpi ne, %convert_element_type3A_164, %cond3A_165 : i32
        scf.if %cond3A_166 {
          %dma_start3A_199 = arith.constant 0 : i32
          %dma_start3A_200 = arith.constant 0 : i32
          %dma_start3A_201 = arith.constant 0 : i32
          %dma_start3A_202 = tpu.memref_slice %arg8[%rem3A_143, %dma_start3A_200, %dma_start3A_201] : memref<3x80x128xf32, #tpu.memory_space<vmem>> -> memref<1x80x128xf32, #tpu.memory_space<vmem>>
          %dma_start3A_203 = tpu.memref_squeeze %dma_start3A_202 : memref<1x80x128xf32, #tpu.memory_space<vmem>> -> memref<80x128xf32, #tpu.memory_space<vmem>>
          %dma_start3A_204 = arith.constant 0 : i32
          %dma_start3A_205 = tpu.memref_slice %arg7[%rem3A_149, %dma_start3A_199, %dma_start3A_204] : memref<5x3x80xi32, #tpu.memory_space<vmem>> -> memref<1x1x80xi32, #tpu.memory_space<vmem>>
          %dma_start3A_206 = tpu.memref_squeeze %dma_start3A_205 : memref<1x1x80xi32, #tpu.memory_space<vmem>> -> memref<80xi32, #tpu.memory_space<vmem>>
          %dma_start3A_207 = arith.constant 0 : i32
          %dma_start3A_208 = arith.constant 0 : i32
          %dma_start3A_209 = tpu.memref_slice %arg2[%dma_start3A_207, %dma_start3A_208] : memref<10000x128xf32, #tpu.memory_space<hbm>> -> memref<10000x128xf32, #tpu.memory_space<hbm>>
          tpu.enqueue_indirect_dma source(%dma_start3A_209 : memref<10000x128xf32, #tpu.memory_space<hbm>>) target(%dma_start3A_203 : memref<80x128xf32, #tpu.memory_space<vmem>>) offsets(%dma_start3A_206 : memref<80xi32, #tpu.memory_space<vmem>>) semaphore(%arg10 : memref<!tpu.dma_semaphore, #tpu.memory_space<semaphore_mem>>)
        } else {
        }
        %lt3A_167 = arith.constant 121 : i32
        %lt3A_168 = arith.cmpi slt, %scan3A_138, %lt3A_167 : i32
        %convert_element_type3A_169 = arith.extui %lt3A_168 : i1 to i32
        %cond3A_170 = arith.constant 0 : i32
        %cond3A_171 = arith.cmpi ne, %convert_element_type3A_169, %cond3A_170 : i32
        scf.if %cond3A_171 {
          %add3A_199 = arith.constant 4 : i32
          %add3A_200 = arith.addi %scan3A_138, %add3A_199 : i32
          %dma_start3A_201 = arith.constant 0 : i32
          %dma_start3A_202 = arith.constant 0 : i32
          %dma_start3A_203 = tpu.memref_slice %arg7[%rem3A_153, %dma_start3A_201, %dma_start3A_202] : memref<5x3x80xi32, #tpu.memory_space<vmem>> -> memref<1x3x80xi32, #tpu.memory_space<vmem>>
          %dma_start3A_204 = tpu.memref_squeeze %dma_start3A_203 : memref<1x3x80xi32, #tpu.memory_space<vmem>> -> memref<3x80xi32, #tpu.memory_space<vmem>>
          %dma_start3A_205 = arith.constant 0 : i32
          %dma_start3A_206 = arith.constant 0 : i32
          %dma_start3A_207 = tpu.memref_slice %arg4[%arg1, %add3A_200, %dma_start3A_205, %dma_start3A_206] : memref<16x125x3x80xi32, #tpu.memory_space<hbm>> -> memref<1x1x3x80xi32, #tpu.memory_space<hbm>>
          %dma_start3A_208 = tpu.memref_squeeze %dma_start3A_207 : memref<1x1x3x80xi32, #tpu.memory_space<hbm>> -> memref<3x80xi32, #tpu.memory_space<hbm>>
          %dma_start3A_209 = arith.constant 0 : i32
          %dma_start3A_210 = arith.constant 0 : i32
          %dma_start3A_211 = tpu.memref_slice %arg7[%rem3A_153, %dma_start3A_209, %dma_start3A_210] : memref<5x3x80xi32, #tpu.memory_space<vmem>> -> memref<1x3x80xi32, #tpu.memory_space<vmem>>
          %dma_start3A_212 = tpu.memref_squeeze %dma_start3A_211 : memref<1x3x80xi32, #tpu.memory_space<vmem>> -> memref<3x80xi32, #tpu.memory_space<vmem>>
          %dma_start3A_213 = arith.constant 0 : i32
          %dma_start3A_214 = arith.constant 0 : i32
          %dma_start3A_215 = tpu.memref_slice %arg4[%arg1, %add3A_200, %dma_start3A_213, %dma_start3A_214] : memref<16x125x3x80xi32, #tpu.memory_space<hbm>> -> memref<1x1x3x80xi32, #tpu.memory_space<hbm>>
          %dma_start3A_216 = tpu.memref_squeeze %dma_start3A_215 : memref<1x1x3x80xi32, #tpu.memory_space<hbm>> -> memref<3x80xi32, #tpu.memory_space<hbm>>
          tpu.enqueue_dma source(%dma_start3A_216 : memref<3x80xi32, #tpu.memory_space<hbm>>) target(%dma_start3A_212 : memref<3x80xi32, #tpu.memory_space<vmem>>) target_semaphore(%arg11 : memref<!tpu.dma_semaphore, #tpu.memory_space<semaphore_mem>>)
        } else {
        }
        %dma_wait3A_172 = arith.constant 0 : i32
        %dma_wait3A_173 = arith.constant 0 : i32
        %dma_wait3A_174 = tpu.memref_slice %arg8[%rem3A_139, %dma_wait3A_172, %dma_wait3A_173] : memref<3x80x128xf32, #tpu.memory_space<vmem>> -> memref<1x80x128xf32, #tpu.memory_space<vmem>>
        %dma_wait3A_175 = tpu.memref_squeeze %dma_wait3A_174 : memref<1x80x128xf32, #tpu.memory_space<vmem>> -> memref<80x128xf32, #tpu.memory_space<vmem>>
        %dma_wait3A_176 = arith.constant 0 : i32
        %dma_wait3A_177 = arith.constant 0 : i32
        %dma_wait3A_178 = tpu.memref_slice %arg2[%dma_wait3A_176, %dma_wait3A_177] : memref<10000x128xf32, #tpu.memory_space<hbm>> -> memref<80x128xf32, #tpu.memory_space<hbm>>
        %dma_wait3A_179 = arith.constant 0 : i32
        %dma_wait3A_180 = arith.constant 0 : i32
        %dma_wait3A_181 = tpu.memref_slice %arg8[%rem3A_139, %dma_wait3A_179, %dma_wait3A_180] : memref<3x80x128xf32, #tpu.memory_space<vmem>> -> memref<1x80x128xf32, #tpu.memory_space<vmem>>
        %dma_wait3A_182 = tpu.memref_squeeze %dma_wait3A_181 : memref<1x80x128xf32, #tpu.memory_space<vmem>> -> memref<80x128xf32, #tpu.memory_space<vmem>>
        %dma_wait3A_183 = arith.constant 0 : i32
        %dma_wait3A_184 = arith.constant 0 : i32
        %dma_wait3A_185 = tpu.memref_slice %arg2[%dma_wait3A_183, %dma_wait3A_184] : memref<10000x128xf32, #tpu.memory_space<hbm>> -> memref<80x128xf32, #tpu.memory_space<hbm>>
        tpu.wait_dma2 semaphore(%arg10 : memref<!tpu.dma_semaphore, #tpu.memory_space<semaphore_mem>>) src(%dma_wait3A_185 : memref<80x128xf32, #tpu.memory_space<hbm>>) dst(%dma_wait3A_182 : memref<80x128xf32, #tpu.memory_space<vmem>>)
        %parallel_loop3A = arith.constant 0 : i32
        %parallel_loop3A_186 = arith.constant 80 : i32
        %parallel_loop3A_187 = arith.constant 1 : i32
        scf.for %parallel_loop3A_199 = %parallel_loop3A to %parallel_loop3A_186 step %parallel_loop3A_187  : i32 {
          %parallel_loop3A_200 = arith.constant 15 : i32
          %parallel_loop3A_201 = arith.constant -1 : i32
          %parallel_loop3A_202 = arith.xori %parallel_loop3A_200, %parallel_loop3A_201 : i32
          %parallel_loop3A_203 = arith.andi %parallel_loop3A_199, %parallel_loop3A_202 : i32
          %parallel_loop3A_204 = arith.constant 15 : i32
          %parallel_loop3A_205 = arith.andi %parallel_loop3A_199, %parallel_loop3A_204 : i32
          %parallel_loop3A_206 = arith.constant 2 : i32
          %parallel_loop3A_207 = arith.index_cast %rem3A_145 : i32 to index
          %parallel_loop3A_208 = arith.index_cast %parallel_loop3A_206 : i32 to index
          %parallel_loop3A_209 = arith.index_cast %parallel_loop3A_203 : i32 to index
          %parallel_loop3A_210 = tpu.vector_load %arg7[%parallel_loop3A_207, %parallel_loop3A_208, %parallel_loop3A_209] {strides = array<i32>} : memref<5x3x80xi32, #tpu.memory_space<vmem>>, vector<1x1x16xi32>,
          %parallel_loop3A_211 = vector.shape_cast %parallel_loop3A_210 : vector<1x1x16xi32> to vector<16xi32>
          %parallel_loop3A_212 = tpu.bitcast %parallel_loop3A_211 : vector<16xi32> -> vector<16xf32>
          %parallel_loop3A_213 = vector.broadcast %parallel_loop3A_205 : i32 to vector<16x1xi32>
          %parallel_loop3A_214 = vector.shape_cast %parallel_loop3A_213 : vector<16x1xi32> to vector<16xi32>
          %parallel_loop3A_215 = tpu.dynamic_gather %parallel_loop3A_212[%parallel_loop3A_214] in [0] : vector<16xf32>, vector<16xi32> -> vector<16xf32>
          %parallel_loop3A_216 = arith.index_cast %rem3A_139 : i32 to index
          %parallel_loop3A_217 = arith.index_cast %parallel_loop3A_199 : i32 to index
          %parallel_loop3A_218 = arith.constant 0 : index
          %parallel_loop3A_219 = tpu.vector_load %arg8[%parallel_loop3A_216, %parallel_loop3A_217, %parallel_loop3A_218] {strides = array<i32>} : memref<3x80x128xf32, #tpu.memory_space<vmem>>, vector<1x1x16xf32>,
          %parallel_loop3A_220 = vector.shape_cast %parallel_loop3A_219 : vector<1x1x16xf32> to vector<16xf32>
          %parallel_loop3A_221 = arith.index_cast %rem3A_139 : i32 to index
          %parallel_loop3A_222 = arith.index_cast %parallel_loop3A_199 : i32 to index
          %parallel_loop3A_223 = arith.constant 16 : index
          %parallel_loop3A_224 = tpu.vector_load %arg8[%parallel_loop3A_221, %parallel_loop3A_222, %parallel_loop3A_223] {strides = array<i32>} : memref<3x80x128xf32, #tpu.memory_space<vmem>>, vector<1x1x16xf32>,
          %parallel_loop3A_225 = vector.shape_cast %parallel_loop3A_224 : vector<1x1x16xf32> to vector<16xf32>
          %parallel_loop3A_226 = arith.index_cast %rem3A_139 : i32 to index
          %parallel_loop3A_227 = arith.index_cast %parallel_loop3A_199 : i32 to index
          %parallel_loop3A_228 = arith.constant 32 : index
          %parallel_loop3A_229 = tpu.vector_load %arg8[%parallel_loop3A_226, %parallel_loop3A_227, %parallel_loop3A_228] {strides = array<i32>} : memref<3x80x128xf32, #tpu.memory_space<vmem>>, vector<1x1x16xf32>,
          %parallel_loop3A_230 = vector.shape_cast %parallel_loop3A_229 : vector<1x1x16xf32> to vector<16xf32>
          %parallel_loop3A_231 = arith.index_cast %rem3A_139 : i32 to index
          %parallel_loop3A_232 = arith.index_cast %parallel_loop3A_199 : i32 to index
          %parallel_loop3A_233 = arith.constant 48 : index
          %parallel_loop3A_234 = tpu.vector_load %arg8[%parallel_loop3A_231, %parallel_loop3A_232, %parallel_loop3A_233] {strides = array<i32>} : memref<3x80x128xf32, #tpu.memory_space<vmem>>, vector<1x1x16xf32>,
          %parallel_loop3A_235 = vector.shape_cast %parallel_loop3A_234 : vector<1x1x16xf32> to vector<16xf32>
          %parallel_loop3A_236 = arith.index_cast %rem3A_139 : i32 to index
          %parallel_loop3A_237 = arith.index_cast %parallel_loop3A_199 : i32 to index
          %parallel_loop3A_238 = arith.constant 64 : index
          %parallel_loop3A_239 = tpu.vector_load %arg8[%parallel_loop3A_236, %parallel_loop3A_237, %parallel_loop3A_238] {strides = array<i32>} : memref<3x80x128xf32, #tpu.memory_space<vmem>>, vector<1x1x16xf32>,
          %parallel_loop3A_240 = vector.shape_cast %parallel_loop3A_239 : vector<1x1x16xf32> to vector<16xf32>
          %parallel_loop3A_241 = arith.index_cast %rem3A_139 : i32 to index
          %parallel_loop3A_242 = arith.index_cast %parallel_loop3A_199 : i32 to index
          %parallel_loop3A_243 = arith.constant 80 : index
          %parallel_loop3A_244 = tpu.vector_load %arg8[%parallel_loop3A_241, %parallel_loop3A_242, %parallel_loop3A_243] {strides = array<i32>} : memref<3x80x128xf32, #tpu.memory_space<vmem>>, vector<1x1x16xf32>,
          %parallel_loop3A_245 = vector.shape_cast %parallel_loop3A_244 : vector<1x1x16xf32> to vector<16xf32>
          %parallel_loop3A_246 = arith.index_cast %rem3A_139 : i32 to index
          %parallel_loop3A_247 = arith.index_cast %parallel_loop3A_199 : i32 to index
          %parallel_loop3A_248 = arith.constant 96 : index
          %parallel_loop3A_249 = tpu.vector_load %arg8[%parallel_loop3A_246, %parallel_loop3A_247, %parallel_loop3A_248] {strides = array<i32>} : memref<3x80x128xf32, #tpu.memory_space<vmem>>, vector<1x1x16xf32>,
          %parallel_loop3A_250 = vector.shape_cast %parallel_loop3A_249 : vector<1x1x16xf32> to vector<16xf32>
          %parallel_loop3A_251 = arith.index_cast %rem3A_139 : i32 to index
          %parallel_loop3A_252 = arith.index_cast %parallel_loop3A_199 : i32 to index
          %parallel_loop3A_253 = arith.constant 112 : index
          %parallel_loop3A_254 = tpu.vector_load %arg8[%parallel_loop3A_251, %parallel_loop3A_252, %parallel_loop3A_253] {strides = array<i32>} : memref<3x80x128xf32, #tpu.memory_space<vmem>>, vector<1x1x16xf32>,
          %parallel_loop3A_255 = vector.shape_cast %parallel_loop3A_254 : vector<1x1x16xf32> to vector<16xf32>
          %parallel_loop3A_256 = arith.mulf %parallel_loop3A_220, %parallel_loop3A_215 : vector<16xf32>
          %parallel_loop3A_257 = arith.mulf %parallel_loop3A_225, %parallel_loop3A_215 : vector<16xf32>
          %parallel_loop3A_258 = arith.mulf %parallel_loop3A_230, %parallel_loop3A_215 : vector<16xf32>
          %parallel_loop3A_259 = arith.mulf %parallel_loop3A_235, %parallel_loop3A_215 : vector<16xf32>
          %parallel_loop3A_260 = arith.mulf %parallel_loop3A_240, %parallel_loop3A_215 : vector<16xf32>
          %parallel_loop3A_261 = arith.mulf %parallel_loop3A_245, %parallel_loop3A_215 : vector<16xf32>
          %parallel_loop3A_262 = arith.mulf %parallel_loop3A_250, %parallel_loop3A_215 : vector<16xf32>
          %parallel_loop3A_263 = arith.mulf %parallel_loop3A_255, %parallel_loop3A_215 : vector<16xf32>
          %parallel_loop3A_264 = arith.index_cast %rem3A_139 : i32 to index
          %parallel_loop3A_265 = arith.index_cast %parallel_loop3A_199 : i32 to index
          %parallel_loop3A_266 = arith.constant 0 : index
          %parallel_loop3A_267 = tpu.vector_load %arg8[%parallel_loop3A_264, %parallel_loop3A_265, %parallel_loop3A_266] {strides = array<i32>} : memref<3x80x128xf32, #tpu.memory_space<vmem>>, vector<1x1x16xf32>,
          %parallel_loop3A_268 = vector.shape_cast %parallel_loop3A_267 : vector<1x1x16xf32> to vector<16xf32>
          %parallel_loop3A_269 = vector.shape_cast %parallel_loop3A_256 : vector<16xf32> to vector<1x1x16xf32>
          tpu.vector_store %arg8[%parallel_loop3A_264, %parallel_loop3A_265, %parallel_loop3A_266], %parallel_loop3A_269 {strides = array<i32>} : memref<3x80x128xf32, #tpu.memory_space<vmem>>, vector<1x1x16xf32>,
          %parallel_loop3A_270 = arith.index_cast %rem3A_139 : i32 to index
          %parallel_loop3A_271 = arith.index_cast %parallel_loop3A_199 : i32 to index
          %parallel_loop3A_272 = arith.constant 16 : index
          %parallel_loop3A_273 = tpu.vector_load %arg8[%parallel_loop3A_270, %parallel_loop3A_271, %parallel_loop3A_272] {strides = array<i32>} : memref<3x80x128xf32, #tpu.memory_space<vmem>>, vector<1x1x16xf32>,
          %parallel_loop3A_274 = vector.shape_cast %parallel_loop3A_273 : vector<1x1x16xf32> to vector<16xf32>
          %parallel_loop3A_275 = vector.shape_cast %parallel_loop3A_257 : vector<16xf32> to vector<1x1x16xf32>
          tpu.vector_store %arg8[%parallel_loop3A_270, %parallel_loop3A_271, %parallel_loop3A_272], %parallel_loop3A_275 {strides = array<i32>} : memref<3x80x128xf32, #tpu.memory_space<vmem>>, vector<1x1x16xf32>,
          %parallel_loop3A_276 = arith.index_cast %rem3A_139 : i32 to index
          %parallel_loop3A_277 = arith.index_cast %parallel_loop3A_199 : i32 to index
          %parallel_loop3A_278 = arith.constant 32 : index
          %parallel_loop3A_279 = tpu.vector_load %arg8[%parallel_loop3A_276, %parallel_loop3A_277, %parallel_loop3A_278] {strides = array<i32>} : memref<3x80x128xf32, #tpu.memory_space<vmem>>, vector<1x1x16xf32>,
          %parallel_loop3A_280 = vector.shape_cast %parallel_loop3A_279 : vector<1x1x16xf32> to vector<16xf32>
          %parallel_loop3A_281 = vector.shape_cast %parallel_loop3A_258 : vector<16xf32> to vector<1x1x16xf32>
          tpu.vector_store %arg8[%parallel_loop3A_276, %parallel_loop3A_277, %parallel_loop3A_278], %parallel_loop3A_281 {strides = array<i32>} : memref<3x80x128xf32, #tpu.memory_space<vmem>>, vector<1x1x16xf32>,
          %parallel_loop3A_282 = arith.index_cast %rem3A_139 : i32 to index
          %parallel_loop3A_283 = arith.index_cast %parallel_loop3A_199 : i32 to index
          %parallel_loop3A_284 = arith.constant 48 : index
          %parallel_loop3A_285 = tpu.vector_load %arg8[%parallel_loop3A_282, %parallel_loop3A_283, %parallel_loop3A_284] {strides = array<i32>} : memref<3x80x128xf32, #tpu.memory_space<vmem>>, vector<1x1x16xf32>,
          %parallel_loop3A_286 = vector.shape_cast %parallel_loop3A_285 : vector<1x1x16xf32> to vector<16xf32>
          %parallel_loop3A_287 = vector.shape_cast %parallel_loop3A_259 : vector<16xf32> to vector<1x1x16xf32>
          tpu.vector_store %arg8[%parallel_loop3A_282, %parallel_loop3A_283, %parallel_loop3A_284], %parallel_loop3A_287 {strides = array<i32>} : memref<3x80x128xf32, #tpu.memory_space<vmem>>, vector<1x1x16xf32>,
          %parallel_loop3A_288 = arith.index_cast %rem3A_139 : i32 to index
          %parallel_loop3A_289 = arith.index_cast %parallel_loop3A_199 : i32 to index
          %parallel_loop3A_290 = arith.constant 64 : index
          %parallel_loop3A_291 = tpu.vector_load %arg8[%parallel_loop3A_288, %parallel_loop3A_289, %parallel_loop3A_290] {strides = array<i32>} : memref<3x80x128xf32, #tpu.memory_space<vmem>>, vector<1x1x16xf32>,
          %parallel_loop3A_292 = vector.shape_cast %parallel_loop3A_291 : vector<1x1x16xf32> to vector<16xf32>
          %parallel_loop3A_293 = vector.shape_cast %parallel_loop3A_260 : vector<16xf32> to vector<1x1x16xf32>
          tpu.vector_store %arg8[%parallel_loop3A_288, %parallel_loop3A_289, %parallel_loop3A_290], %parallel_loop3A_293 {strides = array<i32>} : memref<3x80x128xf32, #tpu.memory_space<vmem>>, vector<1x1x16xf32>,
          %parallel_loop3A_294 = arith.index_cast %rem3A_139 : i32 to index
          %parallel_loop3A_295 = arith.index_cast %parallel_loop3A_199 : i32 to index
          %parallel_loop3A_296 = arith.constant 80 : index
          %parallel_loop3A_297 = tpu.vector_load %arg8[%parallel_loop3A_294, %parallel_loop3A_295, %parallel_loop3A_296] {strides = array<i32>} : memref<3x80x128xf32, #tpu.memory_space<vmem>>, vector<1x1x16xf32>,
          %parallel_loop3A_298 = vector.shape_cast %parallel_loop3A_297 : vector<1x1x16xf32> to vector<16xf32>
          %parallel_loop3A_299 = vector.shape_cast %parallel_loop3A_261 : vector<16xf32> to vector<1x1x16xf32>
          tpu.vector_store %arg8[%parallel_loop3A_294, %parallel_loop3A_295, %parallel_loop3A_296], %parallel_loop3A_299 {strides = array<i32>} : memref<3x80x128xf32, #tpu.memory_space<vmem>>, vector<1x1x16xf32>,
          %parallel_loop3A_300 = arith.index_cast %rem3A_139 : i32 to index
          %parallel_loop3A_301 = arith.index_cast %parallel_loop3A_199 : i32 to index
          %parallel_loop3A_302 = arith.constant 96 : index
          %parallel_loop3A_303 = tpu.vector_load %arg8[%parallel_loop3A_300, %parallel_loop3A_301, %parallel_loop3A_302] {strides = array<i32>} : memref<3x80x128xf32, #tpu.memory_space<vmem>>, vector<1x1x16xf32>,
          %parallel_loop3A_304 = vector.shape_cast %parallel_loop3A_303 : vector<1x1x16xf32> to vector<16xf32>
          %parallel_loop3A_305 = vector.shape_cast %parallel_loop3A_262 : vector<16xf32> to vector<1x1x16xf32>
          tpu.vector_store %arg8[%parallel_loop3A_300, %parallel_loop3A_301, %parallel_loop3A_302], %parallel_loop3A_305 {strides = array<i32>} : memref<3x80x128xf32, #tpu.memory_space<vmem>>, vector<1x1x16xf32>,
          %parallel_loop3A_306 = arith.index_cast %rem3A_139 : i32 to index
          %parallel_loop3A_307 = arith.index_cast %parallel_loop3A_199 : i32 to index
          %parallel_loop3A_308 = arith.constant 112 : index
          %parallel_loop3A_309 = tpu.vector_load %arg8[%parallel_loop3A_306, %parallel_loop3A_307, %parallel_loop3A_308] {strides = array<i32>} : memref<3x80x128xf32, #tpu.memory_space<vmem>>, vector<1x1x16xf32>,
          %parallel_loop3A_310 = vector.shape_cast %parallel_loop3A_309 : vector<1x1x16xf32> to vector<16xf32>
          %parallel_loop3A_311 = vector.shape_cast %parallel_loop3A_263 : vector<16xf32> to vector<1x1x16xf32>
          tpu.vector_store %arg8[%parallel_loop3A_306, %parallel_loop3A_307, %parallel_loop3A_308], %parallel_loop3A_311 {strides = array<i32>} : memref<3x80x128xf32, #tpu.memory_space<vmem>>, vector<1x1x16xf32>,
        } {sc.loop_unroll_factor = 4 : i64, sc.parallel_access}
        %dma_start3A_188 = arith.constant 1 : i32
        %dma_start3A_189 = arith.constant 0 : i32
        %dma_start3A_190 = arith.constant 0 : i32
        %dma_start3A_191 = tpu.memref_slice %arg8[%rem3A_139, %dma_start3A_189, %dma_start3A_190] : memref<3x80x128xf32, #tpu.memory_space<vmem>> -> memref<1x80x128xf32, #tpu.memory_space<vmem>>
        %dma_start3A_192 = tpu.memref_squeeze %dma_start3A_191 : memref<1x80x128xf32, #tpu.memory_space<vmem>> -> memref<80x128xf32, #tpu.memory_space<vmem>>
        %dma_start3A_193 = arith.constant 0 : i32
        %dma_start3A_194 = tpu.memref_slice %arg7[%rem3A_145, %dma_start3A_188, %dma_start3A_193] : memref<5x3x80xi32, #tpu.memory_space<vmem>> -> memref<1x1x80xi32, #tpu.memory_space<vmem>>
        %dma_start3A_195 = tpu.memref_squeeze %dma_start3A_194 : memref<1x1x80xi32, #tpu.memory_space<vmem>> -> memref<80xi32, #tpu.memory_space<vmem>>
        %dma_start3A_196 = arith.constant 0 : i32
        %dma_start3A_197 = arith.constant 0 : i32
        %dma_start3A_198 = tpu.memref_slice %arg9[%dma_start3A_196, %dma_start3A_197] : memref<10240x128xf32, #tpu.memory_space<vmem_shared>> -> memref<10240x128xf32, #tpu.memory_space<vmem_shared>>
        tpu.enqueue_indirect_dma source(%dma_start3A_192 : memref<80x128xf32, #tpu.memory_space<vmem>>) target(%dma_start3A_198 : memref<10240x128xf32, #tpu.memory_space<vmem_shared>>) offsets(%dma_start3A_195 : memref<80xi32, #tpu.memory_space<vmem>>) semaphore(%arg12 : memref<!tpu.dma_semaphore, #tpu.memory_space<semaphore_mem>>) {add = true}
      }
      %scan3A_120 = arith.constant 125 : i32
      %dma_wait3A = arith.constant 0 : i32
      %dma_wait3A_121 = arith.constant 0 : i32
      %dma_wait3A_122 = arith.constant 0 : i32
      %dma_wait3A_123 = tpu.memref_slice %arg8[%dma_wait3A, %dma_wait3A_121, %dma_wait3A_122] : memref<3x80x128xf32, #tpu.memory_space<vmem>> -> memref<1x80x128xf32, #tpu.memory_space<vmem>>
      %dma_wait3A_124 = tpu.memref_squeeze %dma_wait3A_123 : memref<1x80x128xf32, #tpu.memory_space<vmem>> -> memref<80x128xf32, #tpu.memory_space<vmem>>
      %dma_wait3A_125 = arith.constant 0 : i32
      %dma_wait3A_126 = arith.constant 0 : i32
      %dma_wait3A_127 = tpu.memref_slice %arg9[%dma_wait3A_125, %dma_wait3A_126] : memref<10240x128xf32, #tpu.memory_space<vmem_shared>> -> memref<80x128xf32, #tpu.memory_space<vmem_shared>>
      %dma_wait3A_128 = arith.constant 0 : i32
      %dma_wait3A_129 = arith.constant 0 : i32
      %dma_wait3A_130 = tpu.memref_slice %arg9[%dma_wait3A_128, %dma_wait3A_129] : memref<10240x128xf32, #tpu.memory_space<vmem_shared>> -> memref<80x128xf32, #tpu.memory_space<vmem_shared>>
      %dma_wait3A_131 = arith.constant 0 : i32
      %dma_wait3A_132 = arith.constant 0 : i32
      %dma_wait3A_133 = tpu.memref_slice %arg8[%dma_wait3A, %dma_wait3A_131, %dma_wait3A_132] : memref<3x80x128xf32, #tpu.memory_space<vmem>> -> memref<1x80x128xf32, #tpu.memory_space<vmem>>
      %dma_wait3A_134 = tpu.memref_squeeze %dma_wait3A_133 : memref<1x80x128xf32, #tpu.memory_space<vmem>> -> memref<80x128xf32, #tpu.memory_space<vmem>>
      tpu.wait_dma2 semaphore(%arg12 : memref<!tpu.dma_semaphore, #tpu.memory_space<semaphore_mem>>) src(%dma_wait3A_134 : memref<80x128xf32, #tpu.memory_space<vmem>>) dst(%dma_wait3A_130 : memref<80x128xf32, #tpu.memory_space<vmem_shared>>)
      %barrier3A_135 = arith.constant 0 : index
      tpu.barrier barrier_id(%barrier3A_135)
      %mul3A_136 = arith.constant 640 : i32
      %mul3A_137 = arith.muli %arg1, %mul3A_136 : i32
      "tpu.region"() ({
        %run_scoped3A_138 = tpu.sem_alloc : memref<!tpu.dma_semaphore, #tpu.memory_space<semaphore_mem>>
        %dma_start3A_139 = arith.constant 0 : i32
        %dma_start3A_140 = tpu.memref_slice %arg5[%mul3A_137, %dma_start3A_139] : memref<10240x128xf32, #tpu.memory_space<hbm>> -> memref<640x128xf32, #tpu.memory_space<hbm>>
        %dma_start3A_141 = arith.constant 0 : i32
        %dma_start3A_142 = tpu.memref_slice %arg9[%mul3A_137, %dma_start3A_141] : memref<10240x128xf32, #tpu.memory_space<vmem_shared>> -> memref<640x128xf32, #tpu.memory_space<vmem_shared>>
        tpu.enqueue_dma source(%dma_start3A_142 : memref<640x128xf32, #tpu.memory_space<vmem_shared>>) target(%dma_start3A_140 : memref<640x128xf32, #tpu.memory_space<hbm>>) target_semaphore(%run_scoped3A_138 : memref<!tpu.dma_semaphore, #tpu.memory_space<semaphore_mem>>)
        %dma_wait3A_143 = arith.constant 0 : i32
        %dma_wait3A_144 = tpu.memref_slice %arg5[%mul3A_137, %dma_wait3A_143] : memref<10240x128xf32, #tpu.memory_space<hbm>> -> memref<640x128xf32, #tpu.memory_space<hbm>>
        %dma_wait3A_145 = arith.constant 0 : i32
        %dma_wait3A_146 = tpu.memref_slice %arg9[%mul3A_137, %dma_wait3A_145] : memref<10240x128xf32, #tpu.memory_space<vmem_shared>> -> memref<640x128xf32, #tpu.memory_space<vmem_shared>>
        tpu.wait_dma2 semaphore(%run_scoped3A_138 : memref<!tpu.dma_semaphore, #tpu.memory_space<semaphore_mem>>) src(%dma_wait3A_146 : memref<640x128xf32, #tpu.memory_space<vmem_shared>>) dst(%dma_wait3A_144 : memref<640x128xf32, #tpu.memory_space<hbm>>)
        tpu.yield
      }) : () -> ()
    } else {
    }
    %eq3A_45 = arith.constant 1 : i32
    %eq3A_46 = arith.cmpi eq, %arg0, %eq3A_45 : i32
    %convert_element_type3A_47 = arith.extui %eq3A_46 : i1 to i32
    %cond3A_48 = arith.constant 0 : i32
    %cond3A_49 = arith.cmpi ne, %convert_element_type3A_47, %cond3A_48 : i32
    scf.if %cond3A_49 {
      %run_scoped3A_50 = arith.constant 0 : i32
      %run_scoped3A_51 = arith.constant 0 : i32
      "tpu.region"() ({
        %run_scoped3A_138 = tpu.sem_alloc : memref<!tpu.dma_semaphore, #tpu.memory_space<semaphore_mem>>
        %dma_start3A_139 = arith.constant 0 : i32
        %dma_start3A_140 = arith.constant 0 : i32
        %dma_start3A_141 = tpu.memref_slice %arg7[%run_scoped3A_51, %dma_start3A_139, %dma_start3A_140] : memref<5x3x80xi32, #tpu.memory_space<vmem>> -> memref<1x3x80xi32, #tpu.memory_space<vmem>>
        %dma_start3A_142 = tpu.memref_squeeze %dma_start3A_141 : memref<1x3x80xi32, #tpu.memory_space<vmem>> -> memref<3x80xi32, #tpu.memory_space<vmem>>
        %dma_start3A_143 = arith.constant 0 : i32
        %dma_start3A_144 = arith.constant 0 : i32
        %dma_start3A_145 = tpu.memref_slice %arg4[%arg1, %run_scoped3A_50, %dma_start3A_143, %dma_start3A_144] : memref<16x125x3x80xi32, #tpu.memory_space<hbm>> -> memref<1x1x3x80xi32, #tpu.memory_space<hbm>>
        %dma_start3A_146 = tpu.memref_squeeze %dma_start3A_145 : memref<1x1x3x80xi32, #tpu.memory_space<hbm>> -> memref<3x80xi32, #tpu.memory_space<hbm>>
        %dma_start3A_147 = arith.constant 0 : i32
        %dma_start3A_148 = arith.constant 0 : i32
        %dma_start3A_149 = tpu.memref_slice %arg7[%run_scoped3A_51, %dma_start3A_147, %dma_start3A_148] : memref<5x3x80xi32, #tpu.memory_space<vmem>> -> memref<1x3x80xi32, #tpu.memory_space<vmem>>
        %dma_start3A_150 = tpu.memref_squeeze %dma_start3A_149 : memref<1x3x80xi32, #tpu.memory_space<vmem>> -> memref<3x80xi32, #tpu.memory_space<vmem>>
        %dma_start3A_151 = arith.constant 0 : i32
        %dma_start3A_152 = arith.constant 0 : i32
        %dma_start3A_153 = tpu.memref_slice %arg4[%arg1, %run_scoped3A_50, %dma_start3A_151, %dma_start3A_152] : memref<16x125x3x80xi32, #tpu.memory_space<hbm>> -> memref<1x1x3x80xi32, #tpu.memory_space<hbm>>
        %dma_start3A_154 = tpu.memref_squeeze %dma_start3A_153 : memref<1x1x3x80xi32, #tpu.memory_space<hbm>> -> memref<3x80xi32, #tpu.memory_space<hbm>>
        tpu.enqueue_dma source(%dma_start3A_154 : memref<3x80xi32, #tpu.memory_space<hbm>>) target(%dma_start3A_150 : memref<3x80xi32, #tpu.memory_space<vmem>>) target_semaphore(%run_scoped3A_138 : memref<!tpu.dma_semaphore, #tpu.memory_space<semaphore_mem>>)
        %dma_wait3A_155 = arith.constant 0 : i32
        %dma_wait3A_156 = arith.constant 0 : i32
        %dma_wait3A_157 = tpu.memref_slice %arg7[%run_scoped3A_51, %dma_wait3A_155, %dma_wait3A_156] : memref<5x3x80xi32, #tpu.memory_space<vmem>> -> memref<1x3x80xi32, #tpu.memory_space<vmem>>
        %dma_wait3A_158 = tpu.memref_squeeze %dma_wait3A_157 : memref<1x3x80xi32, #tpu.memory_space<vmem>> -> memref<3x80xi32, #tpu.memory_space<vmem>>
        %dma_wait3A_159 = arith.constant 0 : i32
        %dma_wait3A_160 = arith.constant 0 : i32
        %dma_wait3A_161 = tpu.memref_slice %arg4[%arg1, %run_scoped3A_50, %dma_wait3A_159, %dma_wait3A_160] : memref<16x125x3x80xi32, #tpu.memory_space<hbm>> -> memref<1x1x3x80xi32, #tpu.memory_space<hbm>>
        %dma_wait3A_162 = tpu.memref_squeeze %dma_wait3A_161 : memref<1x1x3x80xi32, #tpu.memory_space<hbm>> -> memref<3x80xi32, #tpu.memory_space<hbm>>
        %dma_wait3A_163 = arith.constant 0 : i32
        %dma_wait3A_164 = arith.constant 0 : i32
        %dma_wait3A_165 = tpu.memref_slice %arg7[%run_scoped3A_51, %dma_wait3A_163, %dma_wait3A_164] : memref<5x3x80xi32, #tpu.memory_space<vmem>> -> memref<1x3x80xi32, #tpu.memory_space<vmem>>
        %dma_wait3A_166 = tpu.memref_squeeze %dma_wait3A_165 : memref<1x3x80xi32, #tpu.memory_space<vmem>> -> memref<3x80xi32, #tpu.memory_space<vmem>>
        %dma_wait3A_167 = arith.constant 0 : i32
        %dma_wait3A_168 = arith.constant 0 : i32
        %dma_wait3A_169 = tpu.memref_slice %arg4[%arg1, %run_scoped3A_50, %dma_wait3A_167, %dma_wait3A_168] : memref<16x125x3x80xi32, #tpu.memory_space<hbm>> -> memref<1x1x3x80xi32, #tpu.memory_space<hbm>>
        %dma_wait3A_170 = tpu.memref_squeeze %dma_wait3A_169 : memref<1x1x3x80xi32, #tpu.memory_space<hbm>> -> memref<3x80xi32, #tpu.memory_space<hbm>>
        tpu.wait_dma2 semaphore(%run_scoped3A_138 : memref<!tpu.dma_semaphore, #tpu.memory_space<semaphore_mem>>) src(%dma_wait3A_170 : memref<3x80xi32, #tpu.memory_space<hbm>>) dst(%dma_wait3A_166 : memref<3x80xi32, #tpu.memory_space<vmem>>)
        tpu.yield
      }) : () -> ()
      %run_scoped3A_52 = arith.constant 1 : i32
      %run_scoped3A_53 = arith.constant 1 : i32
      "tpu.region"() ({
        %run_scoped3A_138 = tpu.sem_alloc : memref<!tpu.dma_semaphore, #tpu.memory_space<semaphore_mem>>
        %dma_start3A_139 = arith.constant 0 : i32
        %dma_start3A_140 = arith.constant 0 : i32
        %dma_start3A_141 = tpu.memref_slice %arg7[%run_scoped3A_53, %dma_start3A_139, %dma_start3A_140] : memref<5x3x80xi32, #tpu.memory_space<vmem>> -> memref<1x3x80xi32, #tpu.memory_space<vmem>>
        %dma_start3A_142 = tpu.memref_squeeze %dma_start3A_141 : memref<1x3x80xi32, #tpu.memory_space<vmem>> -> memref<3x80xi32, #tpu.memory_space<vmem>>
        %dma_start3A_143 = arith.constant 0 : i32
        %dma_start3A_144 = arith.constant 0 : i32
        %dma_start3A_145 = tpu.memref_slice %arg4[%arg1, %run_scoped3A_52, %dma_start3A_143, %dma_start3A_144] : memref<16x125x3x80xi32, #tpu.memory_space<hbm>> -> memref<1x1x3x80xi32, #tpu.memory_space<hbm>>
        %dma_start3A_146 = tpu.memref_squeeze %dma_start3A_145 : memref<1x1x3x80xi32, #tpu.memory_space<hbm>> -> memref<3x80xi32, #tpu.memory_space<hbm>>
        %dma_start3A_147 = arith.constant 0 : i32
        %dma_start3A_148 = arith.constant 0 : i32
        %dma_start3A_149 = tpu.memref_slice %arg7[%run_scoped3A_53, %dma_start3A_147, %dma_start3A_148] : memref<5x3x80xi32, #tpu.memory_space<vmem>> -> memref<1x3x80xi32, #tpu.memory_space<vmem>>
        %dma_start3A_150 = tpu.memref_squeeze %dma_start3A_149 : memref<1x3x80xi32, #tpu.memory_space<vmem>> -> memref<3x80xi32, #tpu.memory_space<vmem>>
        %dma_start3A_151 = arith.constant 0 : i32
        %dma_start3A_152 = arith.constant 0 : i32
        %dma_start3A_153 = tpu.memref_slice %arg4[%arg1, %run_scoped3A_52, %dma_start3A_151, %dma_start3A_152] : memref<16x125x3x80xi32, #tpu.memory_space<hbm>> -> memref<1x1x3x80xi32, #tpu.memory_space<hbm>>
        %dma_start3A_154 = tpu.memref_squeeze %dma_start3A_153 : memref<1x1x3x80xi32, #tpu.memory_space<hbm>> -> memref<3x80xi32, #tpu.memory_space<hbm>>
        tpu.enqueue_dma source(%dma_start3A_154 : memref<3x80xi32, #tpu.memory_space<hbm>>) target(%dma_start3A_150 : memref<3x80xi32, #tpu.memory_space<vmem>>) target_semaphore(%run_scoped3A_138 : memref<!tpu.dma_semaphore, #tpu.memory_space<semaphore_mem>>)
        %dma_wait3A_155 = arith.constant 0 : i32
        %dma_wait3A_156 = arith.constant 0 : i32
        %dma_wait3A_157 = tpu.memref_slice %arg7[%run_scoped3A_53, %dma_wait3A_155, %dma_wait3A_156] : memref<5x3x80xi32, #tpu.memory_space<vmem>> -> memref<1x3x80xi32, #tpu.memory_space<vmem>>
        %dma_wait3A_158 = tpu.memref_squeeze %dma_wait3A_157 : memref<1x3x80xi32, #tpu.memory_space<vmem>> -> memref<3x80xi32, #tpu.memory_space<vmem>>
        %dma_wait3A_159 = arith.constant 0 : i32
        %dma_wait3A_160 = arith.constant 0 : i32
        %dma_wait3A_161 = tpu.memref_slice %arg4[%arg1, %run_scoped3A_52, %dma_wait3A_159, %dma_wait3A_160] : memref<16x125x3x80xi32, #tpu.memory_space<hbm>> -> memref<1x1x3x80xi32, #tpu.memory_space<hbm>>
        %dma_wait3A_162 = tpu.memref_squeeze %dma_wait3A_161 : memref<1x1x3x80xi32, #tpu.memory_space<hbm>> -> memref<3x80xi32, #tpu.memory_space<hbm>>
        %dma_wait3A_163 = arith.constant 0 : i32
        %dma_wait3A_164 = arith.constant 0 : i32
        %dma_wait3A_165 = tpu.memref_slice %arg7[%run_scoped3A_53, %dma_wait3A_163, %dma_wait3A_164] : memref<5x3x80xi32, #tpu.memory_space<vmem>> -> memref<1x3x80xi32, #tpu.memory_space<vmem>>
        %dma_wait3A_166 = tpu.memref_squeeze %dma_wait3A_165 : memref<1x3x80xi32, #tpu.memory_space<vmem>> -> memref<3x80xi32, #tpu.memory_space<vmem>>
        %dma_wait3A_167 = arith.constant 0 : i32
        %dma_wait3A_168 = arith.constant 0 : i32
        %dma_wait3A_169 = tpu.memref_slice %arg4[%arg1, %run_scoped3A_52, %dma_wait3A_167, %dma_wait3A_168] : memref<16x125x3x80xi32, #tpu.memory_space<hbm>> -> memref<1x1x3x80xi32, #tpu.memory_space<hbm>>
        %dma_wait3A_170 = tpu.memref_squeeze %dma_wait3A_169 : memref<1x1x3x80xi32, #tpu.memory_space<hbm>> -> memref<3x80xi32, #tpu.memory_space<hbm>>
        tpu.wait_dma2 semaphore(%run_scoped3A_138 : memref<!tpu.dma_semaphore, #tpu.memory_space<semaphore_mem>>) src(%dma_wait3A_170 : memref<3x80xi32, #tpu.memory_space<hbm>>) dst(%dma_wait3A_166 : memref<3x80xi32, #tpu.memory_space<vmem>>)
        tpu.yield
      }) : () -> ()
      %dma_start3A = arith.constant 2 : i32
      %dma_start3A_54 = arith.constant 2 : i32
      %dma_start3A_55 = arith.constant 0 : i32
      %dma_start3A_56 = arith.constant 0 : i32
      %dma_start3A_57 = tpu.memref_slice %arg7[%dma_start3A_54, %dma_start3A_55, %dma_start3A_56] : memref<5x3x80xi32, #tpu.memory_space<vmem>> -> memref<1x3x80xi32, #tpu.memory_space<vmem>>
      %dma_start3A_58 = tpu.memref_squeeze %dma_start3A_57 : memref<1x3x80xi32, #tpu.memory_space<vmem>> -> memref<3x80xi32, #tpu.memory_space<vmem>>
      %dma_start3A_59 = arith.constant 0 : i32
      %dma_start3A_60 = arith.constant 0 : i32
      %dma_start3A_61 = tpu.memref_slice %arg4[%arg1, %dma_start3A, %dma_start3A_59, %dma_start3A_60] : memref<16x125x3x80xi32, #tpu.memory_space<hbm>> -> memref<1x1x3x80xi32, #tpu.memory_space<hbm>>
      %dma_start3A_62 = tpu.memref_squeeze %dma_start3A_61 : memref<1x1x3x80xi32, #tpu.memory_space<hbm>> -> memref<3x80xi32, #tpu.memory_space<hbm>>
      %dma_start3A_63 = arith.constant 0 : i32
      %dma_start3A_64 = arith.constant 0 : i32
      %dma_start3A_65 = tpu.memref_slice %arg7[%dma_start3A_54, %dma_start3A_63, %dma_start3A_64] : memref<5x3x80xi32, #tpu.memory_space<vmem>> -> memref<1x3x80xi32, #tpu.memory_space<vmem>>
      %dma_start3A_66 = tpu.memref_squeeze %dma_start3A_65 : memref<1x3x80xi32, #tpu.memory_space<vmem>> -> memref<3x80xi32, #tpu.memory_space<vmem>>
      %dma_start3A_67 = arith.constant 0 : i32
      %dma_start3A_68 = arith.constant 0 : i32
      %dma_start3A_69 = tpu.memref_slice %arg4[%arg1, %dma_start3A, %dma_start3A_67, %dma_start3A_68] : memref<16x125x3x80xi32, #tpu.memory_space<hbm>> -> memref<1x1x3x80xi32, #tpu.memory_space<hbm>>
      %dma_start3A_70 = tpu.memref_squeeze %dma_start3A_69 : memref<1x1x3x80xi32, #tpu.memory_space<hbm>> -> memref<3x80xi32, #tpu.memory_space<hbm>>
      tpu.enqueue_dma source(%dma_start3A_70 : memref<3x80xi32, #tpu.memory_space<hbm>>) target(%dma_start3A_66 : memref<3x80xi32, #tpu.memory_space<vmem>>) target_semaphore(%arg11 : memref<!tpu.dma_semaphore, #tpu.memory_space<semaphore_mem>>)
      %dma_start3A_71 = arith.constant 3 : i32
      %dma_start3A_72 = arith.constant 3 : i32
      %dma_start3A_73 = arith.constant 0 : i32
      %dma_start3A_74 = arith.constant 0 : i32
      %dma_start3A_75 = tpu.memref_slice %arg7[%dma_start3A_72, %dma_start3A_73, %dma_start3A_74] : memref<5x3x80xi32, #tpu.memory_space<vmem>> -> memref<1x3x80xi32, #tpu.memory_space<vmem>>
      %dma_start3A_76 = tpu.memref_squeeze %dma_start3A_75 : memref<1x3x80xi32, #tpu.memory_space<vmem>> -> memref<3x80xi32, #tpu.memory_space<vmem>>
      %dma_start3A_77 = arith.constant 0 : i32
      %dma_start3A_78 = arith.constant 0 : i32
      %dma_start3A_79 = tpu.memref_slice %arg4[%arg1, %dma_start3A_71, %dma_start3A_77, %dma_start3A_78] : memref<16x125x3x80xi32, #tpu.memory_space<hbm>> -> memref<1x1x3x80xi32, #tpu.memory_space<hbm>>
      %dma_start3A_80 = tpu.memref_squeeze %dma_start3A_79 : memref<1x1x3x80xi32, #tpu.memory_space<hbm>> -> memref<3x80xi32, #tpu.memory_space<hbm>>
      %dma_start3A_81 = arith.constant 0 : i32
      %dma_start3A_82 = arith.constant 0 : i32
      %dma_start3A_83 = tpu.memref_slice %arg7[%dma_start3A_72, %dma_start3A_81, %dma_start3A_82] : memref<5x3x80xi32, #tpu.memory_space<vmem>> -> memref<1x3x80xi32, #tpu.memory_space<vmem>>
      %dma_start3A_84 = tpu.memref_squeeze %dma_start3A_83 : memref<1x3x80xi32, #tpu.memory_space<vmem>> -> memref<3x80xi32, #tpu.memory_space<vmem>>
      %dma_start3A_85 = arith.constant 0 : i32
      %dma_start3A_86 = arith.constant 0 : i32
      %dma_start3A_87 = tpu.memref_slice %arg4[%arg1, %dma_start3A_71, %dma_start3A_85, %dma_start3A_86] : memref<16x125x3x80xi32, #tpu.memory_space<hbm>> -> memref<1x1x3x80xi32, #tpu.memory_space<hbm>>
      %dma_start3A_88 = tpu.memref_squeeze %dma_start3A_87 : memref<1x1x3x80xi32, #tpu.memory_space<hbm>> -> memref<3x80xi32, #tpu.memory_space<hbm>>
      tpu.enqueue_dma source(%dma_start3A_88 : memref<3x80xi32, #tpu.memory_space<hbm>>) target(%dma_start3A_84 : memref<3x80xi32, #tpu.memory_space<vmem>>) target_semaphore(%arg11 : memref<!tpu.dma_semaphore, #tpu.memory_space<semaphore_mem>>)
      %dma_start3A_89 = arith.constant 0 : i32
      %dma_start3A_90 = arith.constant 0 : i32
      %dma_start3A_91 = arith.constant 0 : i32
      %dma_start3A_92 = arith.constant 0 : i32
      %dma_start3A_93 = arith.constant 0 : i32
      %dma_start3A_94 = tpu.memref_slice %arg8[%dma_start3A_91, %dma_start3A_92, %dma_start3A_93] : memref<3x80x128xf32, #tpu.memory_space<vmem>> -> memref<1x80x128xf32, #tpu.memory_space<vmem>>
      %dma_start3A_95 = tpu.memref_squeeze %dma_start3A_94 : memref<1x80x128xf32, #tpu.memory_space<vmem>> -> memref<80x128xf32, #tpu.memory_space<vmem>>
      %dma_start3A_96 = arith.constant 0 : i32
      %dma_start3A_97 = tpu.memref_slice %arg7[%dma_start3A_89, %dma_start3A_90, %dma_start3A_96] : memref<5x3x80xi32, #tpu.memory_space<vmem>> -> memref<1x1x80xi32, #tpu.memory_space<vmem>>
      %dma_start3A_98 = tpu.memref_squeeze %dma_start3A_97 : memref<1x1x80xi32, #tpu.memory_space<vmem>> -> memref<80xi32, #tpu.memory_space<vmem>>
      %dma_start3A_99 = arith.constant 0 : i32
      %dma_start3A_100 = arith.constant 0 : i32
      %dma_start3A_101 = tpu.memref_slice %arg3[%dma_start3A_99, %dma_start3A_100] : memref<10000x128xf32, #tpu.memory_space<hbm>> -> memref<10000x128xf32, #tpu.memory_space<hbm>>
      tpu.enqueue_indirect_dma source(%dma_start3A_101 : memref<10000x128xf32, #tpu.memory_space<hbm>>) target(%dma_start3A_95 : memref<80x128xf32, #tpu.memory_space<vmem>>) offsets(%dma_start3A_98 : memref<80xi32, #tpu.memory_space<vmem>>) semaphore(%arg10 : memref<!tpu.dma_semaphore, #tpu.memory_space<semaphore_mem>>)
      %dma_start3A_102 = arith.constant 1 : i32
      %dma_start3A_103 = arith.constant 0 : i32
      %dma_start3A_104 = arith.constant 1 : i32
      %dma_start3A_105 = arith.constant 0 : i32
      %dma_start3A_106 = arith.constant 0 : i32
      %dma_start3A_107 = tpu.memref_slice %arg8[%dma_start3A_104, %dma_start3A_105, %dma_start3A_106] : memref<3x80x128xf32, #tpu.memory_space<vmem>> -> memref<1x80x128xf32, #tpu.memory_space<vmem>>
      %dma_start3A_108 = tpu.memref_squeeze %dma_start3A_107 : memref<1x80x128xf32, #tpu.memory_space<vmem>> -> memref<80x128xf32, #tpu.memory_space<vmem>>
      %dma_start3A_109 = arith.constant 0 : i32
      %dma_start3A_110 = tpu.memref_slice %arg7[%dma_start3A_102, %dma_start3A_103, %dma_start3A_109] : memref<5x3x80xi32, #tpu.memory_space<vmem>> -> memref<1x1x80xi32, #tpu.memory_space<vmem>>
      %dma_start3A_111 = tpu.memref_squeeze %dma_start3A_110 : memref<1x1x80xi32, #tpu.memory_space<vmem>> -> memref<80xi32, #tpu.memory_space<vmem>>
      %dma_start3A_112 = arith.constant 0 : i32
      %dma_start3A_113 = arith.constant 0 : i32
      %dma_start3A_114 = tpu.memref_slice %arg3[%dma_start3A_112, %dma_start3A_113] : memref<10000x128xf32, #tpu.memory_space<hbm>> -> memref<10000x128xf32, #tpu.memory_space<hbm>>
      tpu.enqueue_indirect_dma source(%dma_start3A_114 : memref<10000x128xf32, #tpu.memory_space<hbm>>) target(%dma_start3A_108 : memref<80x128xf32, #tpu.memory_space<vmem>>) offsets(%dma_start3A_111 : memref<80xi32, #tpu.memory_space<vmem>>) semaphore(%arg10 : memref<!tpu.dma_semaphore, #tpu.memory_space<semaphore_mem>>)
      %scan3A_115 = arith.constant 0 : i32
      %scan3A_116 = arith.constant 0 : i32
      %scan3A_117 = arith.constant 125 : i32
      %scan3A_118 = arith.addi %scan3A_116, %scan3A_117 : i32
      %scan3A_119 = arith.constant 1 : i32
      scf.for %scan3A_138 = %scan3A_116 to %scan3A_118 step %scan3A_119  : i32 {
        %rem3A = arith.constant 3 : i32
        %rem3A_139 = arith.remsi %scan3A_138, %rem3A : i32
        %add3A_140 = arith.constant 2 : i32
        %add3A_141 = arith.addi %scan3A_138, %add3A_140 : i32
        %rem3A_142 = arith.constant 3 : i32
        %rem3A_143 = arith.remsi %add3A_141, %rem3A_142 : i32
        %rem3A_144 = arith.constant 5 : i32
        %rem3A_145 = arith.remsi %scan3A_138, %rem3A_144 : i32
        %add3A_146 = arith.constant 2 : i32
        %add3A_147 = arith.addi %scan3A_138, %add3A_146 : i32
        %rem3A_148 = arith.constant 5 : i32
        %rem3A_149 = arith.remsi %add3A_147, %rem3A_148 : i32
        %add3A_150 = arith.constant 4 : i32
        %add3A_151 = arith.addi %scan3A_138, %add3A_150 : i32
        %rem3A_152 = arith.constant 5 : i32
        %rem3A_153 = arith.remsi %add3A_151, %rem3A_152 : i32
        %lt3A = arith.constant 123 : i32
        %lt3A_154 = arith.cmpi slt, %scan3A_138, %lt3A : i32
        %convert_element_type3A_155 = arith.extui %lt3A_154 : i1 to i32
        %cond3A_156 = arith.constant 0 : i32
        %cond3A_157 = arith.cmpi ne, %convert_element_type3A_155, %cond3A_156 : i32
        scf.if %cond3A_157 {
          %dma_wait3A_199 = arith.constant 0 : i32
          %dma_wait3A_200 = arith.constant 0 : i32
          %dma_wait3A_201 = arith.constant 0 : i32
          %dma_wait3A_202 = tpu.memref_slice %arg7[%rem3A_149, %dma_wait3A_200, %dma_wait3A_201] : memref<5x3x80xi32, #tpu.memory_space<vmem>> -> memref<1x3x80xi32, #tpu.memory_space<vmem>>
          %dma_wait3A_203 = tpu.memref_squeeze %dma_wait3A_202 : memref<1x3x80xi32, #tpu.memory_space<vmem>> -> memref<3x80xi32, #tpu.memory_space<vmem>>
          %dma_wait3A_204 = arith.constant 0 : i32
          %dma_wait3A_205 = arith.constant 0 : i32
          %dma_wait3A_206 = tpu.memref_slice %arg4[%arg1, %dma_wait3A_199, %dma_wait3A_204, %dma_wait3A_205] : memref<16x125x3x80xi32, #tpu.memory_space<hbm>> -> memref<1x1x3x80xi32, #tpu.memory_space<hbm>>
          %dma_wait3A_207 = tpu.memref_squeeze %dma_wait3A_206 : memref<1x1x3x80xi32, #tpu.memory_space<hbm>> -> memref<3x80xi32, #tpu.memory_space<hbm>>
          %dma_wait3A_208 = arith.constant 0 : i32
          %dma_wait3A_209 = arith.constant 0 : i32
          %dma_wait3A_210 = tpu.memref_slice %arg7[%rem3A_149, %dma_wait3A_208, %dma_wait3A_209] : memref<5x3x80xi32, #tpu.memory_space<vmem>> -> memref<1x3x80xi32, #tpu.memory_space<vmem>>
          %dma_wait3A_211 = tpu.memref_squeeze %dma_wait3A_210 : memref<1x3x80xi32, #tpu.memory_space<vmem>> -> memref<3x80xi32, #tpu.memory_space<vmem>>
          %dma_wait3A_212 = arith.constant 0 : i32
          %dma_wait3A_213 = arith.constant 0 : i32
          %dma_wait3A_214 = tpu.memref_slice %arg4[%arg1, %dma_wait3A_199, %dma_wait3A_212, %dma_wait3A_213] : memref<16x125x3x80xi32, #tpu.memory_space<hbm>> -> memref<1x1x3x80xi32, #tpu.memory_space<hbm>>
          %dma_wait3A_215 = tpu.memref_squeeze %dma_wait3A_214 : memref<1x1x3x80xi32, #tpu.memory_space<hbm>> -> memref<3x80xi32, #tpu.memory_space<hbm>>
          tpu.wait_dma2 semaphore(%arg11 : memref<!tpu.dma_semaphore, #tpu.memory_space<semaphore_mem>>) src(%dma_wait3A_215 : memref<3x80xi32, #tpu.memory_space<hbm>>) dst(%dma_wait3A_211 : memref<3x80xi32, #tpu.memory_space<vmem>>)
        } else {
        }
        %ge3A = arith.constant 1 : i32
        %ge3A_158 = arith.cmpi sge, %scan3A_138, %ge3A : i32
        %convert_element_type3A_159 = arith.extui %ge3A_158 : i1 to i32
        %cond3A_160 = arith.constant 0 : i32
        %cond3A_161 = arith.cmpi ne, %convert_element_type3A_159, %cond3A_160 : i32
        scf.if %cond3A_161 {
          %dma_wait3A_199 = arith.constant 0 : i32
          %dma_wait3A_200 = arith.constant 0 : i32
          %dma_wait3A_201 = tpu.memref_slice %arg8[%rem3A_143, %dma_wait3A_199, %dma_wait3A_200] : memref<3x80x128xf32, #tpu.memory_space<vmem>> -> memref<1x80x128xf32, #tpu.memory_space<vmem>>
          %dma_wait3A_202 = tpu.memref_squeeze %dma_wait3A_201 : memref<1x80x128xf32, #tpu.memory_space<vmem>> -> memref<80x128xf32, #tpu.memory_space<vmem>>
          %dma_wait3A_203 = arith.constant 0 : i32
          %dma_wait3A_204 = arith.constant 0 : i32
          %dma_wait3A_205 = tpu.memref_slice %arg9[%dma_wait3A_203, %dma_wait3A_204] : memref<10240x128xf32, #tpu.memory_space<vmem_shared>> -> memref<80x128xf32, #tpu.memory_space<vmem_shared>>
          %dma_wait3A_206 = arith.constant 0 : i32
          %dma_wait3A_207 = arith.constant 0 : i32
          %dma_wait3A_208 = tpu.memref_slice %arg9[%dma_wait3A_206, %dma_wait3A_207] : memref<10240x128xf32, #tpu.memory_space<vmem_shared>> -> memref<80x128xf32, #tpu.memory_space<vmem_shared>>
          %dma_wait3A_209 = arith.constant 0 : i32
          %dma_wait3A_210 = arith.constant 0 : i32
          %dma_wait3A_211 = tpu.memref_slice %arg8[%rem3A_143, %dma_wait3A_209, %dma_wait3A_210] : memref<3x80x128xf32, #tpu.memory_space<vmem>> -> memref<1x80x128xf32, #tpu.memory_space<vmem>>
          %dma_wait3A_212 = tpu.memref_squeeze %dma_wait3A_211 : memref<1x80x128xf32, #tpu.memory_space<vmem>> -> memref<80x128xf32, #tpu.memory_space<vmem>>
          tpu.wait_dma2 semaphore(%arg12 : memref<!tpu.dma_semaphore, #tpu.memory_space<semaphore_mem>>) src(%dma_wait3A_212 : memref<80x128xf32, #tpu.memory_space<vmem>>) dst(%dma_wait3A_208 : memref<80x128xf32, #tpu.memory_space<vmem_shared>>)
        } else {
        }
        %lt3A_162 = arith.constant 123 : i32
        %lt3A_163 = arith.cmpi slt, %scan3A_138, %lt3A_162 : i32
        %convert_element_type3A_164 = arith.extui %lt3A_163 : i1 to i32
        %cond3A_165 = arith.constant 0 : i32
        %cond3A_166 = arith.cmpi ne, %convert_element_type3A_164, %cond3A_165 : i32
        scf.if %cond3A_166 {
          %dma_start3A_199 = arith.constant 0 : i32
          %dma_start3A_200 = arith.constant 0 : i32
          %dma_start3A_201 = arith.constant 0 : i32
          %dma_start3A_202 = tpu.memref_slice %arg8[%rem3A_143, %dma_start3A_200, %dma_start3A_201] : memref<3x80x128xf32, #tpu.memory_space<vmem>> -> memref<1x80x128xf32, #tpu.memory_space<vmem>>
          %dma_start3A_203 = tpu.memref_squeeze %dma_start3A_202 : memref<1x80x128xf32, #tpu.memory_space<vmem>> -> memref<80x128xf32, #tpu.memory_space<vmem>>
          %dma_start3A_204 = arith.constant 0 : i32
          %dma_start3A_205 = tpu.memref_slice %arg7[%rem3A_149, %dma_start3A_199, %dma_start3A_204] : memref<5x3x80xi32, #tpu.memory_space<vmem>> -> memref<1x1x80xi32, #tpu.memory_space<vmem>>
          %dma_start3A_206 = tpu.memref_squeeze %dma_start3A_205 : memref<1x1x80xi32, #tpu.memory_space<vmem>> -> memref<80xi32, #tpu.memory_space<vmem>>
          %dma_start3A_207 = arith.constant 0 : i32
          %dma_start3A_208 = arith.constant 0 : i32
          %dma_start3A_209 = tpu.memref_slice %arg3[%dma_start3A_207, %dma_start3A_208] : memref<10000x128xf32, #tpu.memory_space<hbm>> -> memref<10000x128xf32, #tpu.memory_space<hbm>>
          tpu.enqueue_indirect_dma source(%dma_start3A_209 : memref<10000x128xf32, #tpu.memory_space<hbm>>) target(%dma_start3A_203 : memref<80x128xf32, #tpu.memory_space<vmem>>) offsets(%dma_start3A_206 : memref<80xi32, #tpu.memory_space<vmem>>) semaphore(%arg10 : memref<!tpu.dma_semaphore, #tpu.memory_space<semaphore_mem>>)
        } else {
        }
        %lt3A_167 = arith.constant 121 : i32
        %lt3A_168 = arith.cmpi slt, %scan3A_138, %lt3A_167 : i32
        %convert_element_type3A_169 = arith.extui %lt3A_168 : i1 to i32
        %cond3A_170 = arith.constant 0 : i32
        %cond3A_171 = arith.cmpi ne, %convert_element_type3A_169, %cond3A_170 : i32
        scf.if %cond3A_171 {
          %add3A_199 = arith.constant 4 : i32
          %add3A_200 = arith.addi %scan3A_138, %add3A_199 : i32
          %dma_start3A_201 = arith.constant 0 : i32
          %dma_start3A_202 = arith.constant 0 : i32
          %dma_start3A_203 = tpu.memref_slice %arg7[%rem3A_153, %dma_start3A_201, %dma_start3A_202] : memref<5x3x80xi32, #tpu.memory_space<vmem>> -> memref<1x3x80xi32, #tpu.memory_space<vmem>>
          %dma_start3A_204 = tpu.memref_squeeze %dma_start3A_203 : memref<1x3x80xi32, #tpu.memory_space<vmem>> -> memref<3x80xi32, #tpu.memory_space<vmem>>
          %dma_start3A_205 = arith.constant 0 : i32
          %dma_start3A_206 = arith.constant 0 : i32
          %dma_start3A_207 = tpu.memref_slice %arg4[%arg1, %add3A_200, %dma_start3A_205, %dma_start3A_206] : memref<16x125x3x80xi32, #tpu.memory_space<hbm>> -> memref<1x1x3x80xi32, #tpu.memory_space<hbm>>
          %dma_start3A_208 = tpu.memref_squeeze %dma_start3A_207 : memref<1x1x3x80xi32, #tpu.memory_space<hbm>> -> memref<3x80xi32, #tpu.memory_space<hbm>>
          %dma_start3A_209 = arith.constant 0 : i32
          %dma_start3A_210 = arith.constant 0 : i32
          %dma_start3A_211 = tpu.memref_slice %arg7[%rem3A_153, %dma_start3A_209, %dma_start3A_210] : memref<5x3x80xi32, #tpu.memory_space<vmem>> -> memref<1x3x80xi32, #tpu.memory_space<vmem>>
          %dma_start3A_212 = tpu.memref_squeeze %dma_start3A_211 : memref<1x3x80xi32, #tpu.memory_space<vmem>> -> memref<3x80xi32, #tpu.memory_space<vmem>>
          %dma_start3A_213 = arith.constant 0 : i32
          %dma_start3A_214 = arith.constant 0 : i32
          %dma_start3A_215 = tpu.memref_slice %arg4[%arg1, %add3A_200, %dma_start3A_213, %dma_start3A_214] : memref<16x125x3x80xi32, #tpu.memory_space<hbm>> -> memref<1x1x3x80xi32, #tpu.memory_space<hbm>>
          %dma_start3A_216 = tpu.memref_squeeze %dma_start3A_215 : memref<1x1x3x80xi32, #tpu.memory_space<hbm>> -> memref<3x80xi32, #tpu.memory_space<hbm>>
          tpu.enqueue_dma source(%dma_start3A_216 : memref<3x80xi32, #tpu.memory_space<hbm>>) target(%dma_start3A_212 : memref<3x80xi32, #tpu.memory_space<vmem>>) target_semaphore(%arg11 : memref<!tpu.dma_semaphore, #tpu.memory_space<semaphore_mem>>)
        } else {
        }
        %dma_wait3A_172 = arith.constant 0 : i32
        %dma_wait3A_173 = arith.constant 0 : i32
        %dma_wait3A_174 = tpu.memref_slice %arg8[%rem3A_139, %dma_wait3A_172, %dma_wait3A_173] : memref<3x80x128xf32, #tpu.memory_space<vmem>> -> memref<1x80x128xf32, #tpu.memory_space<vmem>>
        %dma_wait3A_175 = tpu.memref_squeeze %dma_wait3A_174 : memref<1x80x128xf32, #tpu.memory_space<vmem>> -> memref<80x128xf32, #tpu.memory_space<vmem>>
        %dma_wait3A_176 = arith.constant 0 : i32
        %dma_wait3A_177 = arith.constant 0 : i32
        %dma_wait3A_178 = tpu.memref_slice %arg3[%dma_wait3A_176, %dma_wait3A_177] : memref<10000x128xf32, #tpu.memory_space<hbm>> -> memref<80x128xf32, #tpu.memory_space<hbm>>
        %dma_wait3A_179 = arith.constant 0 : i32
        %dma_wait3A_180 = arith.constant 0 : i32
        %dma_wait3A_181 = tpu.memref_slice %arg8[%rem3A_139, %dma_wait3A_179, %dma_wait3A_180] : memref<3x80x128xf32, #tpu.memory_space<vmem>> -> memref<1x80x128xf32, #tpu.memory_space<vmem>>
        %dma_wait3A_182 = tpu.memref_squeeze %dma_wait3A_181 : memref<1x80x128xf32, #tpu.memory_space<vmem>> -> memref<80x128xf32, #tpu.memory_space<vmem>>
        %dma_wait3A_183 = arith.constant 0 : i32
        %dma_wait3A_184 = arith.constant 0 : i32
        %dma_wait3A_185 = tpu.memref_slice %arg3[%dma_wait3A_183, %dma_wait3A_184] : memref<10000x128xf32, #tpu.memory_space<hbm>> -> memref<80x128xf32, #tpu.memory_space<hbm>>
        tpu.wait_dma2 semaphore(%arg10 : memref<!tpu.dma_semaphore, #tpu.memory_space<semaphore_mem>>) src(%dma_wait3A_185 : memref<80x128xf32, #tpu.memory_space<hbm>>) dst(%dma_wait3A_182 : memref<80x128xf32, #tpu.memory_space<vmem>>)
        %parallel_loop3A = arith.constant 0 : i32
        %parallel_loop3A_186 = arith.constant 80 : i32
        %parallel_loop3A_187 = arith.constant 1 : i32
        scf.for %parallel_loop3A_199 = %parallel_loop3A to %parallel_loop3A_186 step %parallel_loop3A_187  : i32 {
          %parallel_loop3A_200 = arith.constant 15 : i32
          %parallel_loop3A_201 = arith.constant -1 : i32
          %parallel_loop3A_202 = arith.xori %parallel_loop3A_200, %parallel_loop3A_201 : i32
          %parallel_loop3A_203 = arith.andi %parallel_loop3A_199, %parallel_loop3A_202 : i32
          %parallel_loop3A_204 = arith.constant 15 : i32
          %parallel_loop3A_205 = arith.andi %parallel_loop3A_199, %parallel_loop3A_204 : i32
          %parallel_loop3A_206 = arith.constant 2 : i32
          %parallel_loop3A_207 = arith.index_cast %rem3A_145 : i32 to index
          %parallel_loop3A_208 = arith.index_cast %parallel_loop3A_206 : i32 to index
          %parallel_loop3A_209 = arith.index_cast %parallel_loop3A_203 : i32 to index
          %parallel_loop3A_210 = tpu.vector_load %arg7[%parallel_loop3A_207, %parallel_loop3A_208, %parallel_loop3A_209] {strides = array<i32>} : memref<5x3x80xi32, #tpu.memory_space<vmem>>, vector<1x1x16xi32>,
          %parallel_loop3A_211 = vector.shape_cast %parallel_loop3A_210 : vector<1x1x16xi32> to vector<16xi32>
          %parallel_loop3A_212 = tpu.bitcast %parallel_loop3A_211 : vector<16xi32> -> vector<16xf32>
          %parallel_loop3A_213 = vector.broadcast %parallel_loop3A_205 : i32 to vector<16x1xi32>
          %parallel_loop3A_214 = vector.shape_cast %parallel_loop3A_213 : vector<16x1xi32> to vector<16xi32>
          %parallel_loop3A_215 = tpu.dynamic_gather %parallel_loop3A_212[%parallel_loop3A_214] in [0] : vector<16xf32>, vector<16xi32> -> vector<16xf32>
          %parallel_loop3A_216 = arith.index_cast %rem3A_139 : i32 to index
          %parallel_loop3A_217 = arith.index_cast %parallel_loop3A_199 : i32 to index
          %parallel_loop3A_218 = arith.constant 0 : index
          %parallel_loop3A_219 = tpu.vector_load %arg8[%parallel_loop3A_216, %parallel_loop3A_217, %parallel_loop3A_218] {strides = array<i32>} : memref<3x80x128xf32, #tpu.memory_space<vmem>>, vector<1x1x16xf32>,
          %parallel_loop3A_220 = vector.shape_cast %parallel_loop3A_219 : vector<1x1x16xf32> to vector<16xf32>
          %parallel_loop3A_221 = arith.index_cast %rem3A_139 : i32 to index
          %parallel_loop3A_222 = arith.index_cast %parallel_loop3A_199 : i32 to index
          %parallel_loop3A_223 = arith.constant 16 : index
          %parallel_loop3A_224 = tpu.vector_load %arg8[%parallel_loop3A_221, %parallel_loop3A_222, %parallel_loop3A_223] {strides = array<i32>} : memref<3x80x128xf32, #tpu.memory_space<vmem>>, vector<1x1x16xf32>,
          %parallel_loop3A_225 = vector.shape_cast %parallel_loop3A_224 : vector<1x1x16xf32> to vector<16xf32>
          %parallel_loop3A_226 = arith.index_cast %rem3A_139 : i32 to index
          %parallel_loop3A_227 = arith.index_cast %parallel_loop3A_199 : i32 to index
          %parallel_loop3A_228 = arith.constant 32 : index
          %parallel_loop3A_229 = tpu.vector_load %arg8[%parallel_loop3A_226, %parallel_loop3A_227, %parallel_loop3A_228] {strides = array<i32>} : memref<3x80x128xf32, #tpu.memory_space<vmem>>, vector<1x1x16xf32>,
          %parallel_loop3A_230 = vector.shape_cast %parallel_loop3A_229 : vector<1x1x16xf32> to vector<16xf32>
          %parallel_loop3A_231 = arith.index_cast %rem3A_139 : i32 to index
          %parallel_loop3A_232 = arith.index_cast %parallel_loop3A_199 : i32 to index
          %parallel_loop3A_233 = arith.constant 48 : index
          %parallel_loop3A_234 = tpu.vector_load %arg8[%parallel_loop3A_231, %parallel_loop3A_232, %parallel_loop3A_233] {strides = array<i32>} : memref<3x80x128xf32, #tpu.memory_space<vmem>>, vector<1x1x16xf32>,
          %parallel_loop3A_235 = vector.shape_cast %parallel_loop3A_234 : vector<1x1x16xf32> to vector<16xf32>
          %parallel_loop3A_236 = arith.index_cast %rem3A_139 : i32 to index
          %parallel_loop3A_237 = arith.index_cast %parallel_loop3A_199 : i32 to index
          %parallel_loop3A_238 = arith.constant 64 : index
          %parallel_loop3A_239 = tpu.vector_load %arg8[%parallel_loop3A_236, %parallel_loop3A_237, %parallel_loop3A_238] {strides = array<i32>} : memref<3x80x128xf32, #tpu.memory_space<vmem>>, vector<1x1x16xf32>,
          %parallel_loop3A_240 = vector.shape_cast %parallel_loop3A_239 : vector<1x1x16xf32> to vector<16xf32>
          %parallel_loop3A_241 = arith.index_cast %rem3A_139 : i32 to index
          %parallel_loop3A_242 = arith.index_cast %parallel_loop3A_199 : i32 to index
          %parallel_loop3A_243 = arith.constant 80 : index
          %parallel_loop3A_244 = tpu.vector_load %arg8[%parallel_loop3A_241, %parallel_loop3A_242, %parallel_loop3A_243] {strides = array<i32>} : memref<3x80x128xf32, #tpu.memory_space<vmem>>, vector<1x1x16xf32>,
          %parallel_loop3A_245 = vector.shape_cast %parallel_loop3A_244 : vector<1x1x16xf32> to vector<16xf32>
          %parallel_loop3A_246 = arith.index_cast %rem3A_139 : i32 to index
          %parallel_loop3A_247 = arith.index_cast %parallel_loop3A_199 : i32 to index
          %parallel_loop3A_248 = arith.constant 96 : index
          %parallel_loop3A_249 = tpu.vector_load %arg8[%parallel_loop3A_246, %parallel_loop3A_247, %parallel_loop3A_248] {strides = array<i32>} : memref<3x80x128xf32, #tpu.memory_space<vmem>>, vector<1x1x16xf32>,
          %parallel_loop3A_250 = vector.shape_cast %parallel_loop3A_249 : vector<1x1x16xf32> to vector<16xf32>
          %parallel_loop3A_251 = arith.index_cast %rem3A_139 : i32 to index
          %parallel_loop3A_252 = arith.index_cast %parallel_loop3A_199 : i32 to index
          %parallel_loop3A_253 = arith.constant 112 : index
          %parallel_loop3A_254 = tpu.vector_load %arg8[%parallel_loop3A_251, %parallel_loop3A_252, %parallel_loop3A_253] {strides = array<i32>} : memref<3x80x128xf32, #tpu.memory_space<vmem>>, vector<1x1x16xf32>,
          %parallel_loop3A_255 = vector.shape_cast %parallel_loop3A_254 : vector<1x1x16xf32> to vector<16xf32>
          %parallel_loop3A_256 = arith.mulf %parallel_loop3A_220, %parallel_loop3A_215 : vector<16xf32>
          %parallel_loop3A_257 = arith.mulf %parallel_loop3A_225, %parallel_loop3A_215 : vector<16xf32>
          %parallel_loop3A_258 = arith.mulf %parallel_loop3A_230, %parallel_loop3A_215 : vector<16xf32>
          %parallel_loop3A_259 = arith.mulf %parallel_loop3A_235, %parallel_loop3A_215 : vector<16xf32>
          %parallel_loop3A_260 = arith.mulf %parallel_loop3A_240, %parallel_loop3A_215 : vector<16xf32>
          %parallel_loop3A_261 = arith.mulf %parallel_loop3A_245, %parallel_loop3A_215 : vector<16xf32>
          %parallel_loop3A_262 = arith.mulf %parallel_loop3A_250, %parallel_loop3A_215 : vector<16xf32>
          %parallel_loop3A_263 = arith.mulf %parallel_loop3A_255, %parallel_loop3A_215 : vector<16xf32>
          %parallel_loop3A_264 = arith.index_cast %rem3A_139 : i32 to index
          %parallel_loop3A_265 = arith.index_cast %parallel_loop3A_199 : i32 to index
          %parallel_loop3A_266 = arith.constant 0 : index
          %parallel_loop3A_267 = tpu.vector_load %arg8[%parallel_loop3A_264, %parallel_loop3A_265, %parallel_loop3A_266] {strides = array<i32>} : memref<3x80x128xf32, #tpu.memory_space<vmem>>, vector<1x1x16xf32>,
          %parallel_loop3A_268 = vector.shape_cast %parallel_loop3A_267 : vector<1x1x16xf32> to vector<16xf32>
          %parallel_loop3A_269 = vector.shape_cast %parallel_loop3A_256 : vector<16xf32> to vector<1x1x16xf32>
          tpu.vector_store %arg8[%parallel_loop3A_264, %parallel_loop3A_265, %parallel_loop3A_266], %parallel_loop3A_269 {strides = array<i32>} : memref<3x80x128xf32, #tpu.memory_space<vmem>>, vector<1x1x16xf32>,
          %parallel_loop3A_270 = arith.index_cast %rem3A_139 : i32 to index
          %parallel_loop3A_271 = arith.index_cast %parallel_loop3A_199 : i32 to index
          %parallel_loop3A_272 = arith.constant 16 : index
          %parallel_loop3A_273 = tpu.vector_load %arg8[%parallel_loop3A_270, %parallel_loop3A_271, %parallel_loop3A_272] {strides = array<i32>} : memref<3x80x128xf32, #tpu.memory_space<vmem>>, vector<1x1x16xf32>,
          %parallel_loop3A_274 = vector.shape_cast %parallel_loop3A_273 : vector<1x1x16xf32> to vector<16xf32>
          %parallel_loop3A_275 = vector.shape_cast %parallel_loop3A_257 : vector<16xf32> to vector<1x1x16xf32>
          tpu.vector_store %arg8[%parallel_loop3A_270, %parallel_loop3A_271, %parallel_loop3A_272], %parallel_loop3A_275 {strides = array<i32>} : memref<3x80x128xf32, #tpu.memory_space<vmem>>, vector<1x1x16xf32>,
          %parallel_loop3A_276 = arith.index_cast %rem3A_139 : i32 to index
          %parallel_loop3A_277 = arith.index_cast %parallel_loop3A_199 : i32 to index
          %parallel_loop3A_278 = arith.constant 32 : index
          %parallel_loop3A_279 = tpu.vector_load %arg8[%parallel_loop3A_276, %parallel_loop3A_277, %parallel_loop3A_278] {strides = array<i32>} : memref<3x80x128xf32, #tpu.memory_space<vmem>>, vector<1x1x16xf32>,
          %parallel_loop3A_280 = vector.shape_cast %parallel_loop3A_279 : vector<1x1x16xf32> to vector<16xf32>
          %parallel_loop3A_281 = vector.shape_cast %parallel_loop3A_258 : vector<16xf32> to vector<1x1x16xf32>
          tpu.vector_store %arg8[%parallel_loop3A_276, %parallel_loop3A_277, %parallel_loop3A_278], %parallel_loop3A_281 {strides = array<i32>} : memref<3x80x128xf32, #tpu.memory_space<vmem>>, vector<1x1x16xf32>,
          %parallel_loop3A_282 = arith.index_cast %rem3A_139 : i32 to index
          %parallel_loop3A_283 = arith.index_cast %parallel_loop3A_199 : i32 to index
          %parallel_loop3A_284 = arith.constant 48 : index
          %parallel_loop3A_285 = tpu.vector_load %arg8[%parallel_loop3A_282, %parallel_loop3A_283, %parallel_loop3A_284] {strides = array<i32>} : memref<3x80x128xf32, #tpu.memory_space<vmem>>, vector<1x1x16xf32>,
          %parallel_loop3A_286 = vector.shape_cast %parallel_loop3A_285 : vector<1x1x16xf32> to vector<16xf32>
          %parallel_loop3A_287 = vector.shape_cast %parallel_loop3A_259 : vector<16xf32> to vector<1x1x16xf32>
          tpu.vector_store %arg8[%parallel_loop3A_282, %parallel_loop3A_283, %parallel_loop3A_284], %parallel_loop3A_287 {strides = array<i32>} : memref<3x80x128xf32, #tpu.memory_space<vmem>>, vector<1x1x16xf32>,
          %parallel_loop3A_288 = arith.index_cast %rem3A_139 : i32 to index
          %parallel_loop3A_289 = arith.index_cast %parallel_loop3A_199 : i32 to index
          %parallel_loop3A_290 = arith.constant 64 : index
          %parallel_loop3A_291 = tpu.vector_load %arg8[%parallel_loop3A_288, %parallel_loop3A_289, %parallel_loop3A_290] {strides = array<i32>} : memref<3x80x128xf32, #tpu.memory_space<vmem>>, vector<1x1x16xf32>,
          %parallel_loop3A_292 = vector.shape_cast %parallel_loop3A_291 : vector<1x1x16xf32> to vector<16xf32>
          %parallel_loop3A_293 = vector.shape_cast %parallel_loop3A_260 : vector<16xf32> to vector<1x1x16xf32>
          tpu.vector_store %arg8[%parallel_loop3A_288, %parallel_loop3A_289, %parallel_loop3A_290], %parallel_loop3A_293 {strides = array<i32>} : memref<3x80x128xf32, #tpu.memory_space<vmem>>, vector<1x1x16xf32>,
          %parallel_loop3A_294 = arith.index_cast %rem3A_139 : i32 to index
          %parallel_loop3A_295 = arith.index_cast %parallel_loop3A_199 : i32 to index
          %parallel_loop3A_296 = arith.constant 80 : index
          %parallel_loop3A_297 = tpu.vector_load %arg8[%parallel_loop3A_294, %parallel_loop3A_295, %parallel_loop3A_296] {strides = array<i32>} : memref<3x80x128xf32, #tpu.memory_space<vmem>>, vector<1x1x16xf32>,
          %parallel_loop3A_298 = vector.shape_cast %parallel_loop3A_297 : vector<1x1x16xf32> to vector<16xf32>
          %parallel_loop3A_299 = vector.shape_cast %parallel_loop3A_261 : vector<16xf32> to vector<1x1x16xf32>
          tpu.vector_store %arg8[%parallel_loop3A_294, %parallel_loop3A_295, %parallel_loop3A_296], %parallel_loop3A_299 {strides = array<i32>} : memref<3x80x128xf32, #tpu.memory_space<vmem>>, vector<1x1x16xf32>,
          %parallel_loop3A_300 = arith.index_cast %rem3A_139 : i32 to index
          %parallel_loop3A_301 = arith.index_cast %parallel_loop3A_199 : i32 to index
          %parallel_loop3A_302 = arith.constant 96 : index
          %parallel_loop3A_303 = tpu.vector_load %arg8[%parallel_loop3A_300, %parallel_loop3A_301, %parallel_loop3A_302] {strides = array<i32>} : memref<3x80x128xf32, #tpu.memory_space<vmem>>, vector<1x1x16xf32>,
          %parallel_loop3A_304 = vector.shape_cast %parallel_loop3A_303 : vector<1x1x16xf32> to vector<16xf32>
          %parallel_loop3A_305 = vector.shape_cast %parallel_loop3A_262 : vector<16xf32> to vector<1x1x16xf32>
          tpu.vector_store %arg8[%parallel_loop3A_300, %parallel_loop3A_301, %parallel_loop3A_302], %parallel_loop3A_305 {strides = array<i32>} : memref<3x80x128xf32, #tpu.memory_space<vmem>>, vector<1x1x16xf32>,
          %parallel_loop3A_306 = arith.index_cast %rem3A_139 : i32 to index
          %parallel_loop3A_307 = arith.index_cast %parallel_loop3A_199 : i32 to index
          %parallel_loop3A_308 = arith.constant 112 : index
          %parallel_loop3A_309 = tpu.vector_load %arg8[%parallel_loop3A_306, %parallel_loop3A_307, %parallel_loop3A_308] {strides = array<i32>} : memref<3x80x128xf32, #tpu.memory_space<vmem>>, vector<1x1x16xf32>,
          %parallel_loop3A_310 = vector.shape_cast %parallel_loop3A_309 : vector<1x1x16xf32> to vector<16xf32>
          %parallel_loop3A_311 = vector.shape_cast %parallel_loop3A_263 : vector<16xf32> to vector<1x1x16xf32>
          tpu.vector_store %arg8[%parallel_loop3A_306, %parallel_loop3A_307, %parallel_loop3A_308], %parallel_loop3A_311 {strides = array<i32>} : memref<3x80x128xf32, #tpu.memory_space<vmem>>, vector<1x1x16xf32>,
        } {sc.loop_unroll_factor = 4 : i64, sc.parallel_access}
        %dma_start3A_188 = arith.constant 1 : i32
        %dma_start3A_189 = arith.constant 0 : i32
        %dma_start3A_190 = arith.constant 0 : i32
        %dma_start3A_191 = tpu.memref_slice %arg8[%rem3A_139, %dma_start3A_189, %dma_start3A_190] : memref<3x80x128xf32, #tpu.memory_space<vmem>> -> memref<1x80x128xf32, #tpu.memory_space<vmem>>
        %dma_start3A_192 = tpu.memref_squeeze %dma_start3A_191 : memref<1x80x128xf32, #tpu.memory_space<vmem>> -> memref<80x128xf32, #tpu.memory_space<vmem>>
        %dma_start3A_193 = arith.constant 0 : i32
        %dma_start3A_194 = tpu.memref_slice %arg7[%rem3A_145, %dma_start3A_188, %dma_start3A_193] : memref<5x3x80xi32, #tpu.memory_space<vmem>> -> memref<1x1x80xi32, #tpu.memory_space<vmem>>
        %dma_start3A_195 = tpu.memref_squeeze %dma_start3A_194 : memref<1x1x80xi32, #tpu.memory_space<vmem>> -> memref<80xi32, #tpu.memory_space<vmem>>
        %dma_start3A_196 = arith.constant 0 : i32
        %dma_start3A_197 = arith.constant 0 : i32
        %dma_start3A_198 = tpu.memref_slice %arg9[%dma_start3A_196, %dma_start3A_197] : memref<10240x128xf32, #tpu.memory_space<vmem_shared>> -> memref<10240x128xf32, #tpu.memory_space<vmem_shared>>
        tpu.enqueue_indirect_dma source(%dma_start3A_192 : memref<80x128xf32, #tpu.memory_space<vmem>>) target(%dma_start3A_198 : memref<10240x128xf32, #tpu.memory_space<vmem_shared>>) offsets(%dma_start3A_195 : memref<80xi32, #tpu.memory_space<vmem>>) semaphore(%arg12 : memref<!tpu.dma_semaphore, #tpu.memory_space<semaphore_mem>>) {add = true}
      }
      %scan3A_120 = arith.constant 125 : i32
      %dma_wait3A = arith.constant 0 : i32
      %dma_wait3A_121 = arith.constant 0 : i32
      %dma_wait3A_122 = arith.constant 0 : i32
      %dma_wait3A_123 = tpu.memref_slice %arg8[%dma_wait3A, %dma_wait3A_121, %dma_wait3A_122] : memref<3x80x128xf32, #tpu.memory_space<vmem>> -> memref<1x80x128xf32, #tpu.memory_space<vmem>>
      %dma_wait3A_124 = tpu.memref_squeeze %dma_wait3A_123 : memref<1x80x128xf32, #tpu.memory_space<vmem>> -> memref<80x128xf32, #tpu.memory_space<vmem>>
      %dma_wait3A_125 = arith.constant 0 : i32
      %dma_wait3A_126 = arith.constant 0 : i32
      %dma_wait3A_127 = tpu.memref_slice %arg9[%dma_wait3A_125, %dma_wait3A_126] : memref<10240x128xf32, #tpu.memory_space<vmem_shared>> -> memref<80x128xf32, #tpu.memory_space<vmem_shared>>
      %dma_wait3A_128 = arith.constant 0 : i32
      %dma_wait3A_129 = arith.constant 0 : i32
      %dma_wait3A_130 = tpu.memref_slice %arg9[%dma_wait3A_128, %dma_wait3A_129] : memref<10240x128xf32, #tpu.memory_space<vmem_shared>> -> memref<80x128xf32, #tpu.memory_space<vmem_shared>>
      %dma_wait3A_131 = arith.constant 0 : i32
      %dma_wait3A_132 = arith.constant 0 : i32
      %dma_wait3A_133 = tpu.memref_slice %arg8[%dma_wait3A, %dma_wait3A_131, %dma_wait3A_132] : memref<3x80x128xf32, #tpu.memory_space<vmem>> -> memref<1x80x128xf32, #tpu.memory_space<vmem>>
      %dma_wait3A_134 = tpu.memref_squeeze %dma_wait3A_133 : memref<1x80x128xf32, #tpu.memory_space<vmem>> -> memref<80x128xf32, #tpu.memory_space<vmem>>
      tpu.wait_dma2 semaphore(%arg12 : memref<!tpu.dma_semaphore, #tpu.memory_space<semaphore_mem>>) src(%dma_wait3A_134 : memref<80x128xf32, #tpu.memory_space<vmem>>) dst(%dma_wait3A_130 : memref<80x128xf32, #tpu.memory_space<vmem_shared>>)
      %barrier3A_135 = arith.constant 0 : index
      tpu.barrier barrier_id(%barrier3A_135)
      %mul3A_136 = arith.constant 640 : i32
      %mul3A_137 = arith.muli %arg1, %mul3A_136 : i32
      "tpu.region"() ({
        %run_scoped3A_138 = tpu.sem_alloc : memref<!tpu.dma_semaphore, #tpu.memory_space<semaphore_mem>>
        %dma_start3A_139 = arith.constant 0 : i32
        %dma_start3A_140 = tpu.memref_slice %arg6[%mul3A_137, %dma_start3A_139] : memref<10240x128xf32, #tpu.memory_space<hbm>> -> memref<640x128xf32, #tpu.memory_space<hbm>>
        %dma_start3A_141 = arith.constant 0 : i32
        %dma_start3A_142 = tpu.memref_slice %arg9[%mul3A_137, %dma_start3A_141] : memref<10240x128xf32, #tpu.memory_space<vmem_shared>> -> memref<640x128xf32, #tpu.memory_space<vmem_shared>>
        tpu.enqueue_dma source(%dma_start3A_142 : memref<640x128xf32, #tpu.memory_space<vmem_shared>>) target(%dma_start3A_140 : memref<640x128xf32, #tpu.memory_space<hbm>>) target_semaphore(%run_scoped3A_138 : memref<!tpu.dma_semaphore, #tpu.memory_space<semaphore_mem>>)
        %dma_wait3A_143 = arith.constant 0 : i32
        %dma_wait3A_144 = tpu.memref_slice %arg6[%mul3A_137, %dma_wait3A_143] : memref<10240x128xf32, #tpu.memory_space<hbm>> -> memref<640x128xf32, #tpu.memory_space<hbm>>
        %dma_wait3A_145 = arith.constant 0 : i32
        %dma_wait3A_146 = tpu.memref_slice %arg9[%mul3A_137, %dma_wait3A_145] : memref<10240x128xf32, #tpu.memory_space<vmem_shared>> -> memref<640x128xf32, #tpu.memory_space<vmem_shared>>
        tpu.wait_dma2 semaphore(%run_scoped3A_138 : memref<!tpu.dma_semaphore, #tpu.memory_space<semaphore_mem>>) src(%dma_wait3A_146 : memref<640x128xf32, #tpu.memory_space<vmem_shared>>) dst(%dma_wait3A_144 : memref<640x128xf32, #tpu.memory_space<hbm>>)
        tpu.yield
      }) : () -> ()
    } else {
    }
    return
  }
}

module attributes {stable_mosaic.version = 14 : i64} {
  func.func @_mm_body(%arg0: i32, %arg1: memref<1000x128xf32, #tpu.memory_space<vmem>>, %arg2: memref<1000x128xf32, #tpu.memory_space<vmem>>, %arg3: memref<128x256xf32, #tpu.memory_space<vmem>>, %arg4: memref<128x256xf32, #tpu.memory_space<vmem>>, %arg5: memref<1x256xf32, #tpu.memory_space<vmem>>, %arg6: memref<1000x256xf32, #tpu.memory_space<vmem>>) attributes {dimension_semantics = [#tpu.dimension_semantics<arbitrary>], iteration_bounds = array<i64: 10>, scalar_prefetch = 0 : i64, scratch_operands = 0 : i64, tpu.core_type = #tpu.core_type<tc>, window_params = [{transform_indices = @transform_0, window_bounds = array<i64: 1000, 128>}, {transform_indices = @transform_1, window_bounds = array<i64: 1000, 128>}, {pipeline_mode = #tpu.pipeline_mode<synchronous>, transform_indices = @transform_2, window_bounds = array<i64: 128, 256>}, {pipeline_mode = #tpu.pipeline_mode<synchronous>, transform_indices = @transform_3, window_bounds = array<i64: 128, 256>}, {pipeline_mode = #tpu.pipeline_mode<synchronous>, transform_indices = @transform_4, window_bounds = array<i64: 1, 256>}, {transform_indices = @transform_5, window_bounds = array<i64: 1000, 256>}]} {
    %get3A = arith.constant 0 : index
    %get3A_0 = arith.constant 0 : index
    %get3A_1 = vector.load %arg1[%get3A, %get3A_0] : memref<1000x128xf32, #tpu.memory_space<vmem>>, vector<1000x128xf32>
    %get3A_2 = arith.constant 0 : index
    %get3A_3 = arith.constant 0 : index
    %get3A_4 = vector.load %arg3[%get3A_2, %get3A_3] : memref<128x256xf32, #tpu.memory_space<vmem>>, vector<128x256xf32>
    %dot_general3A = arith.constant dense<0.000000e+00> : vector<1000x256xf32>
    %dot_general3A_5 = tpu.matmul %get3A_1, %get3A_4, %dot_general3A {dimension_numbers = #tpu.dot_dimension_numbers<[1], [0], [0], [1], [0, 0, 1, 1], [], []>, transpose_lhs_hint = false} : vector<1000x128xf32>, vector<128x256xf32>, vector<1000x256xf32> -> vector<1000x256xf32>
    %get3A_6 = arith.constant 0 : index
    %get3A_7 = arith.constant 0 : index
    %get3A_8 = vector.load %arg2[%get3A_6, %get3A_7] : memref<1000x128xf32, #tpu.memory_space<vmem>>, vector<1000x128xf32>
    %get3A_9 = arith.constant 0 : index
    %get3A_10 = arith.constant 0 : index
    %get3A_11 = vector.load %arg4[%get3A_9, %get3A_10] : memref<128x256xf32, #tpu.memory_space<vmem>>, vector<128x256xf32>
    %dot_general3A_12 = arith.constant dense<0.000000e+00> : vector<1000x256xf32>
    %dot_general3A_13 = tpu.matmul %get3A_8, %get3A_11, %dot_general3A_12 {dimension_numbers = #tpu.dot_dimension_numbers<[1], [0], [0], [1], [0, 0, 1, 1], [], []>, transpose_lhs_hint = false} : vector<1000x128xf32>, vector<128x256xf32>, vector<1000x256xf32> -> vector<1000x256xf32>
    %add3A = arith.addf %dot_general3A_5, %dot_general3A_13 : vector<1000x256xf32>
    %get3A_14 = arith.constant 0 : index
    %get3A_15 = arith.constant 0 : index
    %get3A_16 = vector.load %arg5[%get3A_14, %get3A_15] : memref<1x256xf32, #tpu.memory_space<vmem>>, vector<1x256xf32>
    %add3A_17 = vector.broadcast %get3A_16 : vector<1x256xf32> to vector<1000x256xf32>
    %add3A_18 = arith.addf %add3A, %add3A_17 : vector<1000x256xf32>
    %swap3A = arith.constant 0 : index
    %swap3A_19 = arith.constant 0 : index
    %swap3A_20 = vector.load %arg6[%swap3A, %swap3A_19] : memref<1000x256xf32, #tpu.memory_space<vmem>>, vector<1000x256xf32>
    tpu.vector_store %arg6[%swap3A, %swap3A_19], %add3A_18 {strides = array<i32>} : memref<1000x256xf32, #tpu.memory_space<vmem>>, vector<1000x256xf32>,
    return
  }
  func.func @transform_0(%arg0: i32) -> (i32, i32) {
    %c0_i32 = arith.constant 0 : i32
    %c0_i32_0 = arith.constant 0 : i32
    return %arg0, %c0_i32 : i32, i32
  }
  func.func @transform_1(%arg0: i32) -> (i32, i32) {
    %c0_i32 = arith.constant 0 : i32
    %c0_i32_0 = arith.constant 0 : i32
    return %arg0, %c0_i32 : i32, i32
  }
  func.func @transform_2(%arg0: i32) -> (i32, i32) {
    %c0_i32 = arith.constant 0 : i32
    %c0_i32_0 = arith.constant 0 : i32
    %c0_i32_1 = arith.constant 0 : i32
    return %c0_i32, %c0_i32_0 : i32, i32
  }
  func.func @transform_3(%arg0: i32) -> (i32, i32) {
    %c0_i32 = arith.constant 0 : i32
    %c0_i32_0 = arith.constant 0 : i32
    %c0_i32_1 = arith.constant 0 : i32
    return %c0_i32, %c0_i32_0 : i32, i32
  }
  func.func @transform_4(%arg0: i32) -> (i32, i32) {
    %c0_i32 = arith.constant 0 : i32
    %c0_i32_0 = arith.constant 0 : i32
    %c0_i32_1 = arith.constant 0 : i32
    return %c0_i32, %c0_i32_0 : i32, i32
  }
  func.func @transform_5(%arg0: i32) -> (i32, i32) {
    %c0_i32 = arith.constant 0 : i32
    %c0_i32_0 = arith.constant 0 : i32
    return %arg0, %c0_i32 : i32, i32
  }
}

</mosaic_0001>

<sc_bundles>
// kernel: kernel.4.cloned.1.call-start
scs
__scs_entry_jumppad:
0x0: {  	(pc) =	sbr.rel $0x88, $3  }
0x1: {  	(tag) =	ssettag $0x0;
	lr =	simm.s32 $0x1  }
0x2: {  	[smem:$0x3F9C] =	sst lr;
	_ =	strace $0xD0000000  }
0x3: {  	_ = 	snop  }
0x4: {  	_ = 	snop  }
0x5: {  	_ = 	snop  }
0x6: {  	_ = 	snop  }
0x7: {  	_ = 	snop  }
__scs_overlays_trampoline_lowered:
0x8: {  	[smem:$0x3FAB] =	sst s0  }
0x9: {  	[smem:$0x3FAC] =	sst s1  }
0xa: {  	[smem:$0x3FAD] =	sst s2  }
0xb: {  	[smem:$0x3FAE] =	sst s3  }
0xc: {  	[smem:$0x3FAF] =	sst s4  }
0xd: {  	[smem:$0x3FB0] =	sst s5  }
0xe: {  	[smem:$0x3FB1] =	sst s6  }
0xf: {  	[smem:$0x3FB2] =	sst s7  }
0x10: {  	[smem:$0x3FB3] =	sst s8  }
0x11: {  	[smem:$0x3FB4] =	sst s9;
	s0 =	simm.s32 @!p0 $0x0  }
0x12: {  	s1 =	sld [smem:$0x3F9A];
	s0 =	simm.s32 @p0 $0x1  }
0x13: {  	[smem:$0x3FB5] =	sst s0;
	s0 =	simm.s32 @!p1 $0x0  }
0x14: {  	s2 =	sld [smem:$0x3F99];
	s0 =	simm.s32 @p1 $0x1  }
0x15: {  	[smem:$0x3FB6] =	sst s0;
	s0 =	simm.s32 @!p2 $0x0  }
0x16: {  	s3 =	sld [smem:$0x3FDB];
	s0 =	simm.s32 @p2 $0x1  }
0x17: {  	s4 =	simm.s32 $0x1BF5;
	[smem:$0x3FB8] =	sst s0  }
0x18: {  	s0 =	sld [smem:$0x3F9B];
	_ =	swait.ge [sflag:s4], $0x0  }
0x19: {  	s7 =	sld [smem:$0x3F9C]  }
0x1a: {  	s8 =	sadd.s32 $0xFFFFE003, lr  }
0x1b: {  	s9 =	sadd.s32 $0xFFFFFEF7, lr;
	s5 =	simm.s32 $0xFFFFFFFF;
	p2 =	slt.u32 s8, $0xFFFFF086  }
0x1c: {  	p1 =	slt.u32 s9, $0xF7A;
	s5 =	simm.s32 @!p2 $0x0  }
0x1d: {  	s5 =	simm.s32 @p1 $0x1;
	p0 =	seq.s32 s7, s2  }
0x1e: {  	s7 =	smul.u32 @!p0 $0xF7A, s2;
	p2 =	seq.s32 @!p0 s5, $0x0  }
0x1f: {  	s9 =	smul.u32 $0xF7A, s1;
	s8 =	simm.s32 @!p0 $0x1BF5;
	p2 =	por !p2, p0  }
0x20: {  	[sflag:s8] =	ssyncset.s32 @!p0 $0xFFFFF086;
	s6 =	sadd.s32 @!p0 s3, s7;
	s7 =	simm.s32 @!p0 $0x108  }
0x21: {  	s3 =	sadd.s32 s3, s9;
	s6 =	sadd.s32 @!p0 $0x88, s6;
	s7 =	simm.s32 @p2 $0x1082  }
0x22: {  	[simem:s7], [sflag:s8] =	dma.local @!p0 [hbm:s6], $0xF7A  }
0x23: {  	s9 =	sor.u32 $0xD0000000, s2;
	s6 =	simm.s32 $0x108;
	_ =	swait.ge @!p0 [sflag:s8], $0x0  }
0x24: {  	s3 =	sadd.s32 $0x88, s3;
	s6 =	simm.s32 @!p1 $0x1082;
	[sflag:s4] =	ssyncset.s32 $0xFFFFF086  }
0x25: {  	[simem:s6], [sflag:s4] =	dma.local [hbm:s3], $0xF7A  }
0x26: {  	[smem:$0x3F9C] =	sst s1;
	(tag) =	ssettag s2;
	_ =	strace s9  }
0x27: {  	s1 =	sld [smem:$0x3FAC]  }
0x28: {  	s2 =	sld [smem:$0x3FAD]  }
0x29: {  	s4 =	sld [smem:$0x3FAF]  }
0x2a: {  	p0 =	seq.s32 s5, $0x0;
	s5 =	sld [smem:$0x3FB0]  }
0x2b: {  	s6 =	sld [smem:$0x3FB1]  }
0x2c: {  	s7 =	sld [smem:$0x3FB2]  }
0x2d: {  	s3 =	simm.s32 $0x108;
	s8 =	sld [smem:$0x3FB3]  }
0x2e: {  	s3 =	simm.s32 @!p0 $0x1082;
	s9 =	sld [smem:$0x3FB4]  }
0x2f: {  	lr =	sadd.s32 s0, s3;
	s0 =	sld [smem:$0x3FAB]  }
0x30: {  	s3 =	sld [smem:$0x3FAE]  }
0x31: {  	[smem:$0x3FB7] =	sst s10  }
0x32: {  	s10 =	sld [smem:$0x3FB5];
	_ =	sdelay $0x3  }
0x33: {  	p0 =	seq.s32 s10, $0x1;
	s10 =	sld [smem:$0x3FB7];
	_ =	sdelay $0x3  }
0x34: {  	[smem:$0x3FB7] =	sst s10  }
0x35: {  	s10 =	sld [smem:$0x3FB6];
	_ =	sdelay $0x3  }
0x36: {  	p1 =	seq.s32 s10, $0x1;
	s10 =	sld [smem:$0x3FB7];
	_ =	sdelay $0x3  }
0x37: {  	[smem:$0x3FB7] =	sst s10  }
0x38: {  	s10 =	sld [smem:$0x3FB8]  }
0x39: {  	_ = 	snop;
	(pc) =	sbr.ind lr, $3  }
0x3a: {  	_ = 	snop  }
0x3b: {  	_ = 	snop  }
0x3c: {  	p2 =	seq.s32 s10, $0x1;
	s10 =	sld [smem:$0x3FB7]  }
0x3d: {  	_ =	shalt  }
0x3e: {  	_ =	shalt  }
0x3f: {  	_ =	shalt  }
0x40: {  	_ =	shalt  }
0x41: {  	_ =	shalt  }
0x42: {  	_ =	shalt  }
0x43: {  	_ =	shalt  }
0x44: {  	_ =	shalt  }
0x45: {  	_ =	shalt  }
0x46: {  	_ =	shalt  }
0x47: {  	_ =	shalt  }
0x48: {  	_ =	shalt  }
0x49: {  	_ =	shalt  }
0x4a: {  	_ =	shalt  }
0x4b: {  	_ =	shalt  }
0x4c: {  	_ =	shalt  }
0x4d: {  	_ =	shalt  }
0x4e: {  	_ =	shalt  }
0x4f: {  	_ =	shalt  }
0x50: {  	_ =	shalt  }
0x51: {  	_ =	shalt  }
0x52: {  	_ =	shalt  }
0x53: {  	_ =	shalt  }
0x54: {  	_ =	shalt  }
0x55: {  	_ =	shalt  }
0x56: {  	_ =	shalt  }
0x57: {  	_ =	shalt  }
0x58: {  	_ =	shalt  }
0x59: {  	_ =	shalt  }
0x5a: {  	_ =	shalt  }
0x5b: {  	_ =	shalt  }
0x5c: {  	_ =	shalt  }
0x5d: {  	_ =	shalt  }
0x5e: {  	_ =	shalt  }
0x5f: {  	_ =	shalt  }
0x60: {  	_ =	shalt  }
0x61: {  	_ =	shalt  }
0x62: {  	_ =	shalt  }
0x63: {  	_ =	shalt  }
0x64: {  	_ =	shalt  }
0x65: {  	_ =	shalt  }
0x66: {  	_ =	shalt  }
0x67: {  	_ =	shalt  }
0x68: {  	_ =	shalt  }
0x69: {  	_ =	shalt  }
0x6a: {  	_ =	shalt  }
0x6b: {  	_ =	shalt  }
0x6c: {  	_ =	shalt  }
0x6d: {  	_ =	shalt  }
0x6e: {  	_ =	shalt  }
0x6f: {  	_ =	shalt  }
0x70: {  	_ =	shalt  }
0x71: {  	_ =	shalt  }
0x72: {  	_ =	shalt  }
0x73: {  	_ =	shalt  }
0x74: {  	_ =	shalt  }
0x75: {  	_ =	shalt  }
0x76: {  	_ =	shalt  }
0x77: {  	_ =	shalt  }
0x78: {  	_ =	shalt  }
0x79: {  	_ =	shalt  }
0x7a: {  	_ =	shalt  }
0x7b: {  	_ =	shalt  }
0x7c: {  	_ =	shalt  }
0x7d: {  	_ =	shalt  }
0x7e: {  	_ =	shalt  }
0x7f: {  	_ =	shalt  }
0x80: {  	_ =	shalt  }
0x81: {  	_ =	shalt  }
0x82: {  	_ =	shalt  }
0x83: {  	_ =	shalt  }
0x84: {  	_ =	shalt  }
0x85: {  	_ =	shalt  }
0x86: {  	_ =	shalt  }
0x87: {  	_ =	shalt  }
.Lfunc_end0:
.L_simem_size_0:
called_computation_lowered:
.L_overlay_start_0:
0x88: {  	s2 =	sld [smem:$0x3FD9]  }
0x89: {  	s3 =	sld [smem:$0x3FFE];
	_ =	sdelay $0x1  }
0x8a: {  	s1 =	srdreg.scid  }
0x8b: {  	s0 =	sand.u32 $0x1, s1  }
0x8c: {  	s17 =	sshll.u32 s0, $0xA;
	s2 =	sadd.s32 s3, s2  }
0x8d: {  	s2 =	sadd.s32 s2, s17  }
0x8e: {  	[smem:$0x3FC3] =	sst s2  }
0x8f: {  	_ = 	snop  }
0x90: {  	s2 =	sld [smem:$0x3FD0];
	(tm) =	ssettm $0x1  }
0x91: {  	s18 =	sld [smem:$0x3FFB];
	_ =	sdelay $0x3  }
0x92: {  	_ =	strace s18  }
0x93: {  	s3 =	sld [smem:$0x3FFC];
	_ =	sdelay $0x3  }
0x94: {  	_ =	strace s3  }
0x95: {  	s3 =	sld [smem:$0x3FFD];
	_ =	sdelay $0x3  }
0x96: {  	_ =	strace s3  }
0x97: {  	_ =	strace $0x8FFFFFFF  }
0x98: {  	s19 =	sld [smem:$0x3FDB];
	_ =	sdelay $0x1  }
0x99: {  	s4 =	simm.s32 $_scs_section_size  }
0x9a: {  	s5 =	simm.s32 $_size__tile_overlayer_lowered;
	s6 =	simm.s32 $_tile_overlayer_lowered  }
0x9b: {  	s22 =	simm.s32 $0x1BFF;
	s21 =	sshll.u32 s6, $0x1;
	s3 =	sadd.s32 s4, s19  }
0x9c: {  	s7 =	simm.s32 $0x0;
	s20 =	sshll.u32 s5, $0x1;
	s5 =	sadd.s32 s21, s3  }
0x9d: {  	[timem:s7], [sflag:s22] =	dma.local [hbm:s5], s20  }
0x9e: {  	_ =	swait.ge [sflag:s22], s20  }
0x9f: {  	s4 =	ssub.s32 $0x0, s20;
	[sflag:s22] =	ssyncset.done $0x0  }
0xa0: {  	[sflag:s22] =	ssyncadd.s32 s4;
	_ =	sdelay $0x1  }
0xa1: {  	s23 =	simm.s32 $0x1B8B  }
0xa2: {  	_ =	swait.ge [sflag:s23], $0x1  }
0xa3: {  	[sflag:s23] =	ssyncset.done $0x0  }
0xa4: {  	s25 =	simm.s32 $0x1B8E;
	s24 =	sld [smem:$0x3FFE];
	[sflag:s23] =	ssyncadd.s32 $0xFFFFFFFF  }
0xa5: {  	s26 =	simm.s32 $execute0_lowered;
	[smem:$0x3FD2] =	sst s25  }
0xa6: {  	s5 =	sshll.u32 s26, $0x1;
	_ =	strace $0x80000046;
	[dreg:$0x1] =	wrdreg $0xFFFFFFFF  }
0xa7: {  	s28 =	simm.s32 $_size_execute0_lowered;
	s3 =	sadd.s32 s3, s5;
	[dreg:$0x0] =	wrdreg $0x0  }
0xa8: {  	s5 =	sshll.u32 s28, $0x1;
	[dreg:$0x2] =	wrdreg s3  }
0xa9: {  	[dreg:$0x3] =	wrdreg s5  }
0xaa: {  	[dreg:$0x4] =	wrdreg $0xC0  }
0xab: {  	_ =	task [dreg:s7], $0x5FFFF  }
0xac: {  	[dreg:$0x1] =	wrdreg $0xFFFFFFFF  }
0xad: {  	[dreg:$0x0] =	wrdreg $0x60  }
0xae: {  	[dreg:$0x2] =	wrdreg s24  }
0xaf: {  	[dreg:$0x3] =	wrdreg s2  }
0xb0: {  	[dreg:$0x4] =	wrdreg $0x82000  }
0xb1: {  	[dreg:$0x5] =	wrdreg $0x9  }
0xb2: {  	_ =	task.clear_ibuf [dreg:s7], $0x6FFFF;
	_ =	strace $0x90000046  }
0xb3: {  	s29 =	simm.s32 $0x9;
	_ =	strace $0x80000048  }
0xb4: {  	_ =	swait.ge [sflag:s29], $0x1  }
0xb5: {  	[sflag:s29] =	ssyncadd.s32 $0xFFFFFFFF  }
0xb6: {  	_ =	strace $0x90000048  }
0xb7: {  	_ =	sfence  }
0xb8: {  	s30 =	sld [smem:$0x0];
	_ =	sdelay $0x2  }
0xb9: {  	s31 =	sshll.u32 s1, $0xD;
	s1 =	sshrl.u32 s1, $0x2  }
0xba: {  	s3 =	sand.u32 $0x4000, s31;
	s1 =	sadd.s32 s1, s30  }
0xbb: {  	s0 =	sor.u32 s3, s0;
	s1 =	sshll.u32 s1, $0x11  }
0xbc: {  	s0 =	sor.u32 s1, s0  }
0xbd: {  	s0 =	sadd.s32 $0x8F2B, s0  }
0xbe: {  	[sflag:s0] =	ssyncadd.remote.s32 $0x1  }
0xbf: {  	_ =	sfence.sel $0xFFFF  }
0xc0: {  	[dreg:$0x0] =	wrdreg $0xFFFFFFFF;
	(pc) =	sbr.abs _section_cstart, $3  }
0xc1: {  	[dreg:$0x1] =	wrdreg $0xFFFFFFFF  }
0xc2: {  	_ =	task.clear_ibuf [dreg:s7], $0x2FFFF;
	_ =	strace $0x9FFFFFFF  }
0xc3: {  	(tm) =	ssettm $0x7FFFFFFF  }
tec
execute0_lowered:
.L_overlay_start_1:
0x0: {  	(tag) =	ssettag $0x1  }
0x1: {  	s0 =	rddreg [dreg:$0x0]  }
0x2: {  	s2 =	rddreg [dreg:$0x2];
	s4 =	simm.s32 $0x0;
	s11 =	stileid.u32  }
0x3: {  	s1 =	srdreg.scid;
	s30 =	simm.s32 $0x50;
	s28 =	simm.s32 $0x1  }
0x4: {  	s29 =	simm.s32 $0x0;
	[smem:$0x7FF] =	sst s4;
	s5 =	sadd.s32 $0x28000, s0  }
0x5: {  	s3 =	smul.u32 $0x50000, s11;
	s6 =	sadd.s32 $0xE00, s0;
	s7 =	sadd.s32 $0x4F200, s0  }
0x6: {  	s1 =	sand.u32 $0x1, s1;
	s0 =	sadd.s32 $0x6E600, s0;
	s10 =	smul.u32 $0xFA00, s11  }
0x7: {  	_ =	strace $0x80000047;
	[dreg:$0x4] =	wrdreg s0;
	s21 =	ssub.s32 $0x2, s1  }
0x8: {  	p0 =	seq.s32 s1, $0x1;
	s1 =	simm.s32 $0x3;
	s3 =	sshrl.u32 s3, $0x2  }
0x9: {  	s8 =	sshrl.u32 s21, $0x1;
	s25 =	sshrl.u32 s10, $0x3;
	s9 =	sadd.s32 s3, s2  }
0xa: {  	s0 =	ssub.s32 s21, s8;
	s17 =	sadd.s32 s7, s25;
	s3 =	sadd.s32 $0x2800, s9  }
0xb: {  	s25 =	simm.s32 $0x4;
	s22 =	sadd.s32 $0x5000, s9;
	[dreg:$0x5] =	wrdreg s3  }
0xc: {  	s23 =	sadd.s32 $0x7800, s9;
	s24 =	sadd.s32 $0xA000, s9;
	[dreg:$0x6] =	wrdreg s22  }
.Ltmp0:
0xd: {  	s26 =	sadd.s32 $0xC800, s9;
	[dreg:$0x7] =	wrdreg s23;
	(pc) =	sbr.rel .LBB2_1-.Ltmp0, $4  }
0xe: {  	s31 =	sadd.s32 $0xF000, s9;
	s18 =	sadd.s32 $0x11800, s9;
	[dreg:$0x8] =	wrdreg s24  }
0xf: {  	s19 =	sadd.s32 $0x40, s17;
	s20 =	sadd.s32 $0x80, s17;
	[dreg:$0x9] =	wrdreg s26  }
0x10: {  	s21 =	sadd.s32 $0xC0, s17;
	[dreg:$0xa] =	wrdreg s31;
	s22 =	smul.u32 $0x2800, s11  }
0x11: {  	v0 =	vimm.f32 $0.0e+00;
	s23 =	smax.u32 s0, $0x1;
	s24 =	simm.s32 $0xA00;
	s0 =	simm.s32 $0x2  }
.LBB2_26:
0x12: {  	_ =	swait.ge [sflag:s1], $0x2800;
	s3 =	sadd.s32 s3, s22;
	s8 =	stileid.u32  }
0x13: {  	s11 =	sshrl.u32 s9, $0x3;
	s29 =	sadd.s32 $0x1, s29;
	[sflag:s1] =	ssyncset.done $0x0  }
0x14: {  	s8 =	sshll.u32 s8, $0x6;
	p1 =	sne.s32 s29, s23;
	[sflag:s1] =	ssyncadd.s32 $0xFFFFD800  }
.Ltmp1:
0x15: {  	s8 =	sor.u32 $0x1C04, s8;
	[bflag:$0x0] =	sbarrier.arrive $0xFFFF;
	(pc) =	sbr.rel @!p1 .LBB2_27-.Ltmp1, $4  }
0x16: {  	[hbm:s3], [sflag:s8] =	dma.local [spmem:s11], $0x2800  }
0x17: {  	_ =	swait.ge [sflag:s25], $0x2800  }
0x18: {  	[sflag:s25] =	ssyncset.done $0x0  }
0x19: {  	[sflag:s25] =	ssyncadd.s32 $0xFFFFD800  }
.LBB2_1:
0x1a: {  	s3 =	simm.s32 $0x0;
	s8 =	simm.s32 $0x200  }
.LBB2_2:
0x1b: {  	p1 =	sne.s32 s8, $0x9E00;
	[tilespmem:s3+$0xA70] =	vst v0  }
0x1c: {  	[tilespmem:s3+$0xA00] =	vst v0  }
0x1d: {  	[tilespmem:s3+$0xA10] =	vst v0  }
.Ltmp2:
0x1e: {  	[tilespmem:s3+$0xA20] =	vst v0;
	(pc) =	sbr.rel @p1 .LBB2_2-.Ltmp2, $4  }
0x1f: {  	[tilespmem:s3+$0xA30] =	vst v0  }
0x20: {  	[tilespmem:s3+$0xA40] =	vst v0  }
0x21: {  	[tilespmem:s3+$0xA50] =	vst v0  }
0x22: {  	[tilespmem:s3+$0xA60] =	vst v0;
	s3 =	sshra.s32 s8, $0x2;
	s8 =	sadd.s32 $0x200, s8  }
0x23: {  	[tilespmem:s3+$0xA70] =	vst v0  }
0x24: {  	[tilespmem:s3+$0xA00] =	vst v0  }
0x25: {  	[tilespmem:s3+$0xA10] =	vst v0  }
0x26: {  	[tilespmem:s3+$0xA20] =	vst v0  }
0x27: {  	[tilespmem:s3+$0xA30] =	vst v0  }
0x28: {  	[tilespmem:s3+$0xA40] =	vst v0  }
0x29: {  	[tilespmem:s3+$0xA50] =	vst v0  }
0x2a: {  	[tilespmem:s3+$0xA60] =	vst v0  }
0x2b: {  	[spmem:s9] =	stream.linear.scatter [tilespmem:s24], [sflag:$0x4], $0x2800, $0x38;
	[tilespmem:$0x1C200] =	vst v63  }
0x2c: {  	_ =	swait.ge [sflag:s25], $0x2800  }
0x2d: {  	[sflag:s25] =	ssyncset.done $0x0  }
0x2e: {  	s11 =	rddreg [dreg:$0x5];
	[sflag:s25] =	ssyncadd.s32 $0xFFFFD800  }
0x2f: {  	[spmem:s11] =	stream.linear.scatter [tilespmem:s24], [sflag:$0x4], $0x2800, $0x38;
	[tilespmem:$0x1C200] =	vst v63  }
0x30: {  	_ =	swait.ge [sflag:s25], $0x2800  }
0x31: {  	[sflag:s25] =	ssyncset.done $0x0  }
0x32: {  	s12 =	rddreg [dreg:$0x6];
	[sflag:s25] =	ssyncadd.s32 $0xFFFFD800  }
0x33: {  	[spmem:s12] =	stream.linear.scatter [tilespmem:s24], [sflag:$0x4], $0x2800, $0x38;
	[tilespmem:$0x1C200] =	vst v63  }
0x34: {  	_ =	swait.ge [sflag:s25], $0x2800  }
0x35: {  	[sflag:s25] =	ssyncset.done $0x0  }
0x36: {  	s13 =	rddreg [dreg:$0x7];
	[sflag:s25] =	ssyncadd.s32 $0xFFFFD800  }
0x37: {  	[spmem:s13] =	stream.linear.scatter [tilespmem:s24], [sflag:$0x4], $0x2800, $0x38;
	[tilespmem:$0x1C200] =	vst v63  }
0x38: {  	_ =	swait.ge [sflag:s25], $0x2800  }
0x39: {  	[sflag:s25] =	ssyncset.done $0x0  }
0x3a: {  	s14 =	rddreg [dreg:$0x8];
	[sflag:s25] =	ssyncadd.s32 $0xFFFFD800  }
0x3b: {  	[spmem:s14] =	stream.linear.scatter [tilespmem:s24], [sflag:$0x4], $0x2800, $0x38;
	[tilespmem:$0x1C200] =	vst v63  }
0x3c: {  	_ =	swait.ge [sflag:s25], $0x2800  }
0x3d: {  	[sflag:s25] =	ssyncset.done $0x0  }
0x3e: {  	s15 =	rddreg [dreg:$0x9];
	[sflag:s25] =	ssyncadd.s32 $0xFFFFD800  }
0x3f: {  	[spmem:s15] =	stream.linear.scatter [tilespmem:s24], [sflag:$0x4], $0x2800, $0x38;
	[tilespmem:$0x1C200] =	vst v63  }
0x40: {  	_ =	swait.ge [sflag:s25], $0x2800  }
0x41: {  	[sflag:s25] =	ssyncset.done $0x0  }
0x42: {  	s16 =	rddreg [dreg:$0xa];
	[sflag:s25] =	ssyncadd.s32 $0xFFFFD800  }
0x43: {  	[spmem:s16] =	stream.linear.scatter [tilespmem:s24], [sflag:$0x4], $0x2800, $0x38;
	[tilespmem:$0x1C200] =	vst v63  }
0x44: {  	_ =	swait.ge [sflag:s25], $0x2800  }
0x45: {  	[sflag:s25] =	ssyncset.done $0x0  }
0x46: {  	[sflag:s25] =	ssyncadd.s32 $0xFFFFD800  }
0x47: {  	[spmem:s18] =	stream.linear.scatter [tilespmem:s24], [sflag:$0x4], $0x2800, $0x38;
	[tilespmem:$0x1C200] =	vst v63  }
0x48: {  	_ =	swait.ge [sflag:s25], $0x2800  }
0x49: {  	[sflag:s25] =	ssyncset.done $0x0  }
0x4a: {  	[sflag:s25] =	ssyncadd.s32 $0xFFFFD800  }
0x4b: {  	[bflag:$0x0] =	sbarrier.arrive $0xFFFF  }
0x4c: {  	[tilespmem:s4], [sflag:$0x4] =	stream.linear.gather [hbm4b:s17+s4], $0x180, $0x38;
	[tilespmem:$0x1C200] =	vst v63  }
0x4d: {  	_ =	swait.ge [sflag:s25], $0x180  }
0x4e: {  	[sflag:s25] =	ssyncset.done $0x0  }
0x4f: {  	s3 =	simm.s32 $0x200;
	[sflag:s25] =	ssyncadd.s32 $0xFFFFFE80  }
0x50: {  	[tilespmem:s3], [sflag:$0x4] =	stream.linear.gather [hbm4b:s19+s4], $0x180, $0x38;
	[tilespmem:$0x1C200] =	vst v63  }
0x51: {  	_ =	swait.ge [sflag:s25], $0x180  }
.Ltmp3:
0x52: {  	[sflag:s25] =	ssyncset.done $0x0;
	(pc) =	sbr.rel @!p0 .LBB2_4-.Ltmp3, $4  }
0x53: {  	s8 =	simm.s32 $0x400;
	[sflag:s25] =	ssyncadd.s32 $0xFFFFFE80  }
0x54: {  	[tilespmem:s8], [sflag:$0x2] =	stream.linear.gather [hbm4b:s20+s4], $0x180, $0x38;
	[tilespmem:$0x1C200] =	vst v63  }
0x55: {  	s26 =	simm.s32 $0x600;
	s31 =	simm.s32 $0x0  }
0x56: {  	[tilespmem:s26], [sflag:$0x2] =	stream.linear.gather [hbm4b:s21+s4], $0x180, $0x38;
	[tilespmem:$0x1C200] =	vst v63  }
0x57: {  	[tilespmem:s24], [sflag:$0x1] =	stream.indirect.gather [hbm4b:s6+s30], $0x80, s31, s30, $0xb8;
	[tilespmem:$0x1C200] =	vst v63  }
0x58: {  	s8 =	simm.s32 $0x3200  }
0x59: {  	[tilespmem:s8], [sflag:$0x1] =	stream.indirect.gather [hbm4b:s6+s30], $0x80, s3, s30, $0xb8;
	[tilespmem:$0x1C200] =	vst v63  }
0x5a: {  	s8 =	simm.s32 $0xBF0  }
.LBB2_16:
0x5b: {  	p1 =	sgt.u32 s31, $0x7A  }
.Ltmp4:
0x5c: {  	_ = 	snop;
	(pc) =	sbr.rel @p1 .LBB2_19-.Ltmp4, $1  }
0x5d: {  	_ =	sdelay $0x3  }
0x5e: {  	s3 =	sadd.s32 $0x2, s31  }
0x5f: {  	s11 =	sand.u32 $0xFF, s3  }
0x60: {  	s12 =	smul.u32 $0xAB, s11  }
0x61: {  	s11 =	smul.u32 $0xCD, s11  }
0x62: {  	s12 =	sshrl.u32 s12, $0x9  }
0x63: {  	s11 =	sshrl.u32 s11, $0xA;
	s12 =	smul.u32 $0x3, s12  }
0x64: {  	p1 =	sne.s32 s31, $0x0;
	s11 =	smul.u32 $0x5, s11  }
.Ltmp5:
0x65: {  	s12 =	ssub.s32 s3, s12;
	(pc) =	sbr.rel @!p1 .LBB2_18-.Ltmp5, $4  }
0x66: {  	s12 =	sand.u32 $0xFF, s12  }
0x67: {  	_ =	swait.ge [sflag:s0], $0x180;
	s3 =	ssub.s32 s3, s11;
	s26 =	smul.u32 $0xA000, s12  }
0x68: {  	[sflag:s0] =	ssyncset.done $0x0;
	s3 =	sand.u32 $0xFF, s3  }
0x69: {  	[sflag:s0] =	ssyncadd.s32 $0xFFFFFE80;
	s3 =	sshll.u32 s3, $0x9;
	s11 =	sshrl.u32 s26, $0x2  }
0x6a: {  	p1 =	sgt.u32 s31, $0x78  }
.Ltmp6:
0x6b: {  	_ = 	snop;
	(pc) =	sbr.rel @p1 .LBB2_22-.Ltmp6, $4  }
.Ltmp7:
0x6c: {  	_ =	swait.ge [sflag:s1], $0x2800;
	(pc) =	sbr.rel @!p1 .LBB2_21-.Ltmp7, $4  }
0x6d: {  	[sflag:s1] =	ssyncset.done $0x0  }
0x6e: {  	s11 =	sadd.s32 $0xA00, s11;
	[sflag:s1] =	ssyncadd.s32 $0xFFFFD800  }
0x6f: {  	[tilespmem:s11], [sflag:$0x1] =	stream.indirect.gather [hbm4b:s6+s30], $0x80, s3, s30, $0xb8;
	[tilespmem:$0x1C200] =	vst v63  }
0x70: {  	_ = 	snop  }
.LBB2_19:
.Ltmp8:
0x71: {  	(pc) =	sbr.rel .LBB2_22-.Ltmp8, $4  }
0x72: {  	_ = 	snop  }
0x73: {  	_ =	swait.ge [sflag:s1], $0x2800  }
0x74: {  	[sflag:s1] =	ssyncset.done $0x0  }
0x75: {  	[sflag:s1] =	ssyncadd.s32 $0xFFFFD800  }
.LBB2_18:
0x76: {  	s11 =	sadd.s32 $0xA00, s11  }
0x77: {  	[tilespmem:s11], [sflag:$0x1] =	stream.indirect.gather [hbm4b:s6+s30], $0x80, s3, s30, $0xb8;
	[tilespmem:$0x1C200] =	vst v63  }
.LBB2_21:
0x78: {  	s3 =	sadd.s32 $0x4, s31  }
0x79: {  	s11 =	smul.u32 $0xCD, s3;
	_ =	sdelay $0x1  }
0x7a: {  	s11 =	sshrl.u32 s11, $0xA  }
0x7b: {  	s11 =	sand.u32 $0x3F, s11  }
0x7c: {  	s11 =	smul.u32 $0x5, s11  }
0x7d: {  	s12 =	sshll.u32 s3, $0x9  }
0x7e: {  	s26 =	sadd.s32 s10, s12;
	s3 =	ssub.s32 s3, s11  }
0x7f: {  	s11 =	sshrl.u32 s26, $0x3;
	s3 =	sand.u32 $0xFF, s3  }
0x80: {  	s11 =	sadd.s32 s7, s11;
	s3 =	sshll.u32 s3, $0x9  }
0x81: {  	[tilespmem:s3], [sflag:$0x2] =	stream.linear.gather [hbm4b:s11+s4], $0x180, $0x38;
	[tilespmem:$0x1C200] =	vst v63  }
.LBB2_22:
0x82: {  	s3 =	smulhi.u32 $0xAAAAAAAB, s31;
	_ =	sdelay $0x1  }
0x83: {  	s3 =	sshrl.u32 s3, $0x1  }
0x84: {  	s3 =	smul.u32 $0xFFFE2000, s3  }
0x85: {  	s12 =	sand.u32 $0xFF, s31  }
0x86: {  	s11 =	smul.u32 $0xCD, s12;
	s3 =	sshra.s32 s3, $0x2  }
0x87: {  	v1 =	vmov s3  }
0x88: {  	s11 =	sshrl.u32 s11, $0xA  }
0x89: {  	_ =	swait.ge [sflag:s28], $0x2800;
	s11 =	smul.u32 $0x5, s11  }
0x8a: {  	[sflag:s28] =	ssyncset.done $0x0  }
0x8b: {  	[sflag:s28] =	ssyncadd.s32 $0xFFFFD800;
	s3 =	ssub.s32 s31, s11  }
0x8c: {  	s3 =	sand.u32 $0xFF, s3;
	v6 =	vld.idx.msk [tilespmem:v1+s8+$0xFFFFFE40 ss:$0x1], $0xffff  }
0x8d: {  	s3 =	sshll.u32 s3, $0x9;
	v7 =	vld.idx.msk [tilespmem:v1+s8+$0xFFFFFE90 ss:$0x1], $0xffff  }
0x8e: {  	s13 =	sor.u32 $0x100, s3;
	v3 =	vld.idx.msk [tilespmem:v1+s8+$0xFFFFFE10 ss:$0x1], $0xffff  }
0x8f: {  	v2 =	vmov s13;
	v5 =	vld.idx.msk [tilespmem:v1+s8+$0xFFFFFFB0 ss:$0x1], $0xffff  }
0x90: {  	v8 =	vld.idx.msk [tilespmem:v1+s8+$0xFFFFFFA0 ss:$0x1], $0xffff  }
0x91: {  	v9 =	vld.idx.msk [tilespmem:v1+s8+$0xFFFFFF10 ss:$0x1], $0xffff  }
0x92: {  	s11 =	simm.s32 $0x0;
	v10 =	vld.idx.msk [tilespmem:v1+s8+$0xFFFFFF90 ss:$0x1], $0xffff  }
0x93: {  	s13 =	sand.u32 $0x70, s11;
	v12 =	vld.idx.msk [tilespmem:v1+s8+$0xFFFFFE20 ss:$0x1], $0xffff  }
0x94: {  	v11 =	vld.idx.msk [tilespmem:v2+s13+$0x0 ss:$0x1], $0xffff  }
0x95: {  	v13 =	vld.idx.msk [tilespmem:v1+s8+$0xFFFFFE30 ss:$0x1], $0xffff  }
0x96: {  	v14 =	vld.idx.msk [tilespmem:v1+s8+$0xFFFFFEC0 ss:$0x1], $0xffff  }
0x97: {  	s14 =	sand.u32 $0xC, s11;
	v15 =	vld.idx.msk [tilespmem:v1+s8+$0xFFFFFEB0 ss:$0x1], $0xffff  }
0x98: {  	v4 =	vmov s14;
	v16 =	vld.idx.msk [tilespmem:v1+s8+$0xFFFFFEA0 ss:$0x1], $0xffff  }
0x99: {  	s15 =	simm.s32 $0x3;
	v18 =	vld.idx.msk [tilespmem:v1+s8+$0xFFFFFF20 ss:$0x1], $0xffff;
	v17 =	vperm.xlane v11, v4  }
0x9a: {  	v19 =	vld.idx.msk [tilespmem:v1+s8+$0xFFFFFF70 ss:$0x1], $0xffff;
	v4 =	vmov s15  }
0x9b: {  	v20 =	vld.idx.msk [tilespmem:v1+s8+$0xFFFFFF80 ss:$0x1], $0xffff;
	v4 =	vperm.xlane v11, v4;
	v3 =	vmul.f32 v3, v17  }
0x9c: {  	s16 =	simm.s32 $0x2;
	v21 =	vld.idx.msk [tilespmem:v1+s8+$0xFFFFFFC0 ss:$0x1], $0xffff  }
0x9d: {  	v63 =	vld.idx.msk [tilespmem:v1+s8+$0xFFFFFF40 ss:$0x1], $0xffff;
	s13 =	sand.u32 $0xE, s16;
	v10 =	vmul.f32 v10, v4;
	[tilespmem:v1+s8+$0xFFFFFE10 ss:$0x1] =	vst.idx.msk $0xffff, v3  }
0x9e: {  	s14 =	simm.s32 $0x1;
	v12 =	vmul.f32 v12, v17;
	v3 =	vmov s13;
	v22 =	vld.idx.msk [tilespmem:v1+s8+$0xFFFFFE50 ss:$0x1], $0xffff  }
0x9f: {  	s26 =	sand.u32 $0xD, s14;
	v8 =	vmul.f32 v8, v4;
	[tilespmem:v1+s8+$0xFFFFFF90 ss:$0x1] =	vst.idx.msk $0xffff, v10;
	v10 =	vld.idx.msk [tilespmem:v1+s8+$0xFFFFFE60 ss:$0x1], $0xffff;
	v3 =	vperm.xlane v11, v3  }
0xa0: {  	v24 =	vmov s26;
	[tilespmem:v1+s8+$0xFFFFFE20 ss:$0x1] =	vst.idx.msk $0xffff, v12;
	v12 =	vmul.f32 v5, v4;
	v23 =	vld.idx.msk [tilespmem:v1+s8+$0xFFFFFFD0 ss:$0x1], $0xffff  }
0xa1: {  	v5 =	vperm.xlane v11, v24;
	v25 =	vld.idx.msk [tilespmem:v1+s8+$0xFFFFFFE0 ss:$0x1], $0xffff;
	[tilespmem:v1+s8+$0xFFFFFFA0 ss:$0x1] =	vst.idx.msk $0xffff, v8;
	v8 =	vmul.f32 v9, v3  }
0xa2: {  	v11 =	vld.idx.msk [tilespmem:v1+s8+$0xFFFFFF30 ss:$0x1], $0xffff;
	v9 =	vmul.f32 v13, v17;
	[tilespmem:v1+s8+$0xFFFFFFB0 ss:$0x1] =	vst.idx.msk $0xffff, v12  }
0xa3: {  	s12 =	smul.u32 $0xAB, s12;
	v7 =	vmul.f32 v7, v5;
	v26 =	vld.idx.msk [tilespmem:v1+s8+$0x0 ss:$0x1], $0xffff;
	[tilespmem:v1+s8+$0xFFFFFF10 ss:$0x1] =	vst.idx.msk $0xffff, v8  }
0xa4: {  	v6 =	vmul.f32 v6, v17;
	v29 =	vmul.f32 v15, v5;
	v15 =	vld.idx.msk [tilespmem:v1+s8+$0xFFFFFFF0 ss:$0x1], $0xffff;
	[tilespmem:v1+s8+$0xFFFFFE30 ss:$0x1] =	vst.idx.msk $0xffff, v9  }
0xa5: {  	s12 =	sshrl.u32 s12, $0x9;
	v8 =	vmul.f32 v18, v3;
	[tilespmem:v1+s8+$0xFFFFFE90 ss:$0x1] =	vst.idx.msk $0xffff, v7;
	v28 =	vld.idx.msk [tilespmem:v1+s8+$0xFFFFFE70 ss:$0x1], $0xffff  }
0xa6: {  	s12 =	smul.u32 $0x3, s12;
	v7 =	vmul.f32 v16, v5;
	v30 =	vld.idx.msk [tilespmem:v1+s8+$0xFFFFFE80 ss:$0x1], $0xffff;
	[tilespmem:v1+s8+$0xFFFFFE40 ss:$0x1] =	vst.idx.msk $0xffff, v6  }
0xa7: {  	v27 =	vld.idx.msk [tilespmem:v1+s8+$0xFFFFFF50 ss:$0x1], $0xffff;
	v9 =	vmul.f32 v22, v17;
	v6 =	vmul.f32 v19, v3;
	[tilespmem:v1+s8+$0xFFFFFF20 ss:$0x1] =	vst.idx.msk $0xffff, v8  }
0xa8: {  	s12 =	ssub.s32 s31, s12;
	v13 =	vld.idx.msk [tilespmem:v1+s8+$0xFFFFFED0 ss:$0x1], $0xffff;
	v8 =	vmul.f32 v14, v5;
	v14 =	vmul.f32 v21, v4;
	[tilespmem:v1+s8+$0xFFFFFEA0 ss:$0x1] =	vst.idx.msk $0xffff, v7  }
0xa9: {  	s12 =	sand.u32 $0xFF, s12;
	v12 =	vmul.f32 v11, v3;
	v10 =	vmul.f32 v10, v17;
	[tilespmem:v1+s8+$0xFFFFFE50 ss:$0x1] =	vst.idx.msk $0xffff, v9;
	v18 =	vld.idx.msk [tilespmem:v1+s8+$0xFFFFFEE0 ss:$0x1], $0xffff  }
0xaa: {  	s12 =	smul.u32 $0xA000, s12;
	v11 =	vmul.f32 v23, v4;
	v7 =	vmul.f32 v20, v3;
	v19 =	vld.idx.msk [tilespmem:v1+s8+$0xFFFFFEF0 ss:$0x1], $0xffff;
	[tilespmem:v1+s8+$0xFFFFFFC0 ss:$0x1] =	vst.idx.msk $0xffff, v14  }
0xab: {  	v22 =	vmul.f32 v25, v4;
	v21 =	vmul.f32 v63, v3;
	v14 =	vld.idx.msk [tilespmem:v1+s8+$0xFFFFFF00 ss:$0x1], $0xffff;
	[tilespmem:v1+s8+$0xFFFFFEB0 ss:$0x1] =	vst.idx.msk $0xffff, v29  }
0xac: {  	s12 =	sshrl.u32 s12, $0x2;
	v9 =	vmul.f32 v26, v4;
	[tilespmem:v1+s8+$0xFFFFFFD0 ss:$0x1] =	vst.idx.msk $0xffff, v11;
	v11 =	vmul.f32 v27, v3  }
0xad: {  	s14 =	sadd.s32 $0x200, s8;
	s12 =	sadd.s32 $0xA00, s12;
	s13 =	smov.u32 s8;
	v20 =	vld.idx.msk [tilespmem:v1+s8+$0xFFFFFF60 ss:$0x1], $0xffff;
	v16 =	vmul.f32 v28, v17;
	v17 =	vmul.f32 v30, v17;
	[tilespmem:v1+s8+$0xFFFFFFE0 ss:$0x1] =	vst.idx.msk $0xffff, v22  }
.LBB2_23:
0xae: {  	v22 =	vld.idx.msk [tilespmem:v1+s14+$0xFFFFFE40 ss:$0x1], $0xffff;
	s15 =	sadd.s32 $0x5, s11;
	[tilespmem:v1+s13+$0xFFFFFF30 ss:$0x1] =	vst.idx.msk $0xffff, v12;
	s16 =	smov.u32 s11;
	s11 =	sadd.s32 $0x4, s11  }
0xaf: {  	v13 =	vmul.f32 v13, v5;
	v4 =	vmul.f32 v15, v4;
	s26 =	sand.u32 $0x70, s11;
	s15 =	sand.u32 $0xD, s15;
	v12 =	vld.idx.msk [tilespmem:v1+s14+$0xFFFFFE90 ss:$0x1], $0xffff;
	p1 =	slt.u32 s11, $0x4C;
	[tilespmem:v1+s13+$0xFFFFFF40 ss:$0x1] =	vst.idx.msk $0xffff, v21  }
0xb0: {  	v18 =	vmul.f32 v18, v5;
	v15 =	vld.idx.msk [tilespmem:v1+s14+$0xFFFFFE10 ss:$0x1], $0xffff;
	v21 =	vmov s15;
	[tilespmem:v1+s13+$0xFFFFFEC0 ss:$0x1] =	vst.idx.msk $0xffff, v8  }
0xb1: {  	v14 =	vmul.f32 v14, v5;
	v8 =	vld.idx.msk [tilespmem:v1+s14+$0xFFFFFFB0 ss:$0x1], $0xffff;
	[tilespmem:v1+s13+$0xFFFFFED0 ss:$0x1] =	vst.idx.msk $0xffff, v13  }
0xb2: {  	v5 =	vmul.f32 v19, v5;
	v13 =	vld.idx.msk [tilespmem:v1+s14+$0xFFFFFFA0 ss:$0x1], $0xffff;
	[tilespmem:v1+s13+$0xFFFFFEE0 ss:$0x1] =	vst.idx.msk $0xffff, v18  }
0xb3: {  	v3 =	vmul.f32 v20, v3;
	v18 =	vld.idx.msk [tilespmem:v1+s14+$0xFFFFFF10 ss:$0x1], $0xffff;
	[tilespmem:v1+s13+$0xFFFFFE60 ss:$0x1] =	vst.idx.msk $0xffff, v10  }
0xb4: {  	s15 =	sand.u32 $0xC, s11;
	v10 =	vld.idx.msk [tilespmem:v1+s14+$0xFFFFFF90 ss:$0x1], $0xffff;
	[tilespmem:v1+s13+$0xFFFFFFF0 ss:$0x1] =	vst.idx.msk $0xffff, v4  }
0xb5: {  	v4 =	vmov s15;
	v19 =	vld.idx.msk [tilespmem:v2+s26+$0x0 ss:$0x1], $0xffff;
	[tilespmem:v1+s13+$0xFFFFFE70 ss:$0x1] =	vst.idx.msk $0xffff, v16  }
0xb6: {  	v16 =	vld.idx.msk [tilespmem:v1+s14+$0xFFFFFE20 ss:$0x1], $0xffff;
	[tilespmem:v1+s13+$0xFFFFFE80 ss:$0x1] =	vst.idx.msk $0xffff, v17  }
0xb7: {  	v17 =	vld.idx.msk [tilespmem:v1+s14+$0xFFFFFE30 ss:$0x1], $0xffff;
	[tilespmem:v1+s13+$0xFFFFFF50 ss:$0x1] =	vst.idx.msk $0xffff, v11  }
0xb8: {  	v11 =	vld.idx.msk [tilespmem:v1+s14+$0xFFFFFEC0 ss:$0x1], $0xffff;
	[tilespmem:v1+s13+$0x0 ss:$0x1] =	vst.idx.msk $0xffff, v9  }
0xb9: {  	s15 =	sadd.s32 $0x6, s16;
	s16 =	sadd.s32 $0x7, s16;
	v9 =	vld.idx.msk [tilespmem:v1+s14+$0xFFFFFEB0 ss:$0x1], $0xffff;
	[tilespmem:v1+s13+$0xFFFFFEF0 ss:$0x1] =	vst.idx.msk $0xffff, v5  }
0xba: {  	s15 =	sand.u32 $0xE, s15;
	v5 =	vmov s16;
	v20 =	vld.idx.msk [tilespmem:v1+s14+$0xFFFFFEA0 ss:$0x1], $0xffff;
	[tilespmem:v1+s13+$0xFFFFFF60 ss:$0x1] =	vst.idx.msk $0xffff, v3  }
0xbb: {  	v23 =	vperm.xlane v19, v4;
	v3 =	vmov s15;
	v4 =	vperm.xlane v19, v5;
	v24 =	vld.idx.msk [tilespmem:v1+s14+$0xFFFFFF20 ss:$0x1], $0xffff;
	[tilespmem:v1+s13+$0xFFFFFF00 ss:$0x1] =	vst.idx.msk $0xffff, v14  }
0xbc: {  	v5 =	vperm.xlane v19, v21;
	v3 =	vperm.xlane v19, v3;
	v14 =	vld.idx.msk [tilespmem:v1+s14+$0xFFFFFF70 ss:$0x1], $0xffff;
	[tilespmem:v1+s13+$0xFFFFFF70 ss:$0x1] =	vst.idx.msk $0xffff, v6  }
0xbd: {  	v6 =	vmul.f32 v15, v23;
	v15 =	vmul.f32 v17, v23;
	v17 =	vld.idx.msk [tilespmem:v1+s14+$0xFFFFFF80 ss:$0x1], $0xffff;
	[tilespmem:v1+s13+$0xFFFFFF80 ss:$0x1] =	vst.idx.msk $0xffff, v7;
	s13 =	smov.u32 s14  }
0xbe: {  	v10 =	vmul.f32 v10, v4;
	v7 =	vmul.f32 v16, v23;
	v16 =	vld.idx.msk [tilespmem:v1+s14+$0xFFFFFF30 ss:$0x1], $0xffff  }
0xbf: {  	v19 =	vmul.f32 v22, v23;
	v21 =	vmul.f32 v12, v5;
	[tilespmem:v1+s14+$0xFFFFFE10 ss:$0x1] =	vst.idx.msk $0xffff, v6;
	v22 =	vld.idx.msk [tilespmem:v1+s14+$0xFFFFFFC0 ss:$0x1], $0xffff  }
0xc0: {  	v12 =	vmul.f32 v13, v4;
	v18 =	vmul.f32 v18, v3;
	v25 =	vld.idx.msk [tilespmem:v1+s14+$0xFFFFFE50 ss:$0x1], $0xffff;
	[tilespmem:v1+s14+$0xFFFFFF90 ss:$0x1] =	vst.idx.msk $0xffff, v10  }
0xc1: {  	v26 =	vmul.f32 v9, v5;
	v9 =	vmul.f32 v8, v4;
	v10 =	vld.idx.msk [tilespmem:v1+s14+$0xFFFFFE60 ss:$0x1], $0xffff;
	[tilespmem:v1+s14+$0xFFFFFE20 ss:$0x1] =	vst.idx.msk $0xffff, v7  }
0xc2: {  	v8 =	vmul.f32 v11, v5;
	[tilespmem:v1+s14+$0xFFFFFE30 ss:$0x1] =	vst.idx.msk $0xffff, v15;
	v15 =	vmul.f32 v20, v5;
	v11 =	vld.idx.msk [tilespmem:v1+s14+$0xFFFFFFD0 ss:$0x1], $0xffff  }
0xc3: {  	v13 =	vmul.f32 v24, v3;
	v6 =	vmul.f32 v14, v3;
	v14 =	vld.idx.msk [tilespmem:v1+s14+$0xFFFFFFE0 ss:$0x1], $0xffff;
	[tilespmem:v1+s14+$0xFFFFFFA0 ss:$0x1] =	vst.idx.msk $0xffff, v12  }
0xc4: {  	v7 =	vmul.f32 v17, v3;
	v12 =	vmul.f32 v16, v3;
	v20 =	vld.idx.msk [tilespmem:v1+s14+$0xFFFFFF40 ss:$0x1], $0xffff;
	[tilespmem:v1+s14+$0xFFFFFFB0 ss:$0x1] =	vst.idx.msk $0xffff, v9  }
0xc5: {  	v16 =	vmul.f32 v22, v4;
	[tilespmem:v1+s14+$0xFFFFFF10 ss:$0x1] =	vst.idx.msk $0xffff, v18;
	v9 =	vld.idx.msk [tilespmem:v1+s14+$0x0 ss:$0x1], $0xffff  }
0xc6: {  	v17 =	vmul.f32 v25, v23;
	[tilespmem:v1+s14+$0xFFFFFE90 ss:$0x1] =	vst.idx.msk $0xffff, v21;
	v22 =	vld.idx.msk [tilespmem:v1+s14+$0xFFFFFF50 ss:$0x1], $0xffff  }
0xc7: {  	v10 =	vmul.f32 v10, v23;
	v24 =	vld.idx.msk [tilespmem:v1+s14+$0xFFFFFE70 ss:$0x1], $0xffff;
	[tilespmem:v1+s14+$0xFFFFFF20 ss:$0x1] =	vst.idx.msk $0xffff, v13  }
0xc8: {  	v25 =	vld.idx.msk [tilespmem:v1+s14+$0xFFFFFE80 ss:$0x1], $0xffff;
	[tilespmem:v1+s14+$0xFFFFFE40 ss:$0x1] =	vst.idx.msk $0xffff, v19;
	v19 =	vmul.f32 v11, v4  }
0xc9: {  	v27 =	vmul.f32 v14, v4;
	[tilespmem:v1+s14+$0xFFFFFE50 ss:$0x1] =	vst.idx.msk $0xffff, v17;
	v13 =	vld.idx.msk [tilespmem:v1+s14+$0xFFFFFED0 ss:$0x1], $0xffff  }
.Ltmp9:
0xca: {  	v21 =	vmul.f32 v20, v3;
	[tilespmem:v1+s14+$0xFFFFFEA0 ss:$0x1] =	vst.idx.msk $0xffff, v15;
	v15 =	vld.idx.msk [tilespmem:v1+s14+$0xFFFFFFF0 ss:$0x1], $0xffff;
	(pc) =	sbr.rel @p1 .LBB2_23-.Ltmp9, $4  }
0xcb: {  	v9 =	vmul.f32 v9, v4;
	v18 =	vld.idx.msk [tilespmem:v1+s14+$0xFFFFFEE0 ss:$0x1], $0xffff;
	[tilespmem:v1+s14+$0xFFFFFFC0 ss:$0x1] =	vst.idx.msk $0xffff, v16  }
0xcc: {  	v11 =	vmul.f32 v22, v3;
	v14 =	vld.idx.msk [tilespmem:v1+s14+$0xFFFFFF00 ss:$0x1], $0xffff;
	[tilespmem:v1+s14+$0xFFFFFFD0 ss:$0x1] =	vst.idx.msk $0xffff, v19  }
0xcd: {  	v16 =	vmul.f32 v24, v23;
	v19 =	vld.idx.msk [tilespmem:v1+s14+$0xFFFFFEF0 ss:$0x1], $0xffff;
	[tilespmem:v1+s14+$0xFFFFFEB0 ss:$0x1] =	vst.idx.msk $0xffff, v26  }
0xce: {  	v17 =	vmul.f32 v25, v23;
	s14 =	sadd.s32 $0x200, s14;
	v20 =	vld.idx.msk [tilespmem:v1+s13+$0xFFFFFF60 ss:$0x1], $0xffff;
	[tilespmem:v1+s13+$0xFFFFFFE0 ss:$0x1] =	vst.idx.msk $0xffff, v27  }
0xcf: {  	_ =	sdelay $0x3  }
0xd0: {  	[tilespmem:v1+s13+$0xFFFFFF30 ss:$0x1] =	vst.idx.msk $0xffff, v12  }
0xd1: {  	[tilespmem:v1+s13+$0xFFFFFEC0 ss:$0x1] =	vst.idx.msk $0xffff, v8  }
0xd2: {  	[tilespmem:v1+s13+$0xFFFFFE60 ss:$0x1] =	vst.idx.msk $0xffff, v10  }
0xd3: {  	v2 =	vmul.f32 v13, v5;
	[tilespmem:v1+s13+$0xFFFFFF40 ss:$0x1] =	vst.idx.msk $0xffff, v21  }
0xd4: {  	[tilespmem:v1+s13+$0xFFFFFE70 ss:$0x1] =	vst.idx.msk $0xffff, v16  }
0xd5: {  	[tilespmem:v1+s13+$0xFFFFFED0 ss:$0x1] =	vst.idx.msk $0xffff, v2  }
0xd6: {  	v62 =	vmul.f32 v18, v5;
	[tilespmem:v1+s13+$0xFFFFFE80 ss:$0x1] =	vst.idx.msk $0xffff, v17  }
0xd7: {  	v2 =	vmul.f32 v15, v4;
	[tilespmem:v1+s13+$0xFFFFFF50 ss:$0x1] =	vst.idx.msk $0xffff, v11  }
0xd8: {  	[tilespmem:v1+s13+$0xFFFFFEE0 ss:$0x1] =	vst.idx.msk $0xffff, v62  }
0xd9: {  	[tilespmem:v1+s13+$0xFFFFFFF0 ss:$0x1] =	vst.idx.msk $0xffff, v2;
	v2 =	vmul.f32 v19, v5  }
0xda: {  	s31 =	sadd.s32 $0x1, s31;
	v3 =	vmul.f32 v20, v3;
	[tilespmem:v1+s13+$0x0 ss:$0x1] =	vst.idx.msk $0xffff, v9  }
0xdb: {  	p1 =	sne.s32 s31, $0x7D;
	v63 =	vmul.f32 v14, v5;
	[tilespmem:v1+s13+$0xFFFFFEF0 ss:$0x1] =	vst.idx.msk $0xffff, v2  }
.Ltmp10:
0xdc: {  	[tilespmem:v1+s13+$0xFFFFFF60 ss:$0x1] =	vst.idx.msk $0xffff, v3;
	(pc) =	sbr.rel @p1 .LBB2_16-.Ltmp10, $4  }
0xdd: {  	[tilespmem:v1+s13+$0xFFFFFF00 ss:$0x1] =	vst.idx.msk $0xffff, v63  }
0xde: {  	[tilespmem:v1+s13+$0xFFFFFF70 ss:$0x1] =	vst.idx.msk $0xffff, v6  }
0xdf: {  	s3 =	sadd.s32 $0x80, s3;
	s8 =	sadd.s32 $0x2800, s8;
	[tilespmem:v1+s13+$0xFFFFFF80 ss:$0x1] =	vst.idx.msk $0xffff, v7  }
0xe0: {  	[spmem:s2] =	stream.indirect.scatter.add.f32 [tilespmem:s12], [sflag:$0x3], $0x80, s3, s30, $0xb8;
	[tilespmem:$0x1C200] =	vst v63  }
.Ltmp11:
0xe1: {  	(pc) =	sbr.rel .LBB2_26-.Ltmp11, $2  }
0xe2: {  	_ =	sdelay $0x2  }
0xe3: {  	s3 =	rddreg [dreg:$0x4]  }
.LBB2_4:
0xe4: {  	[tilespmem:s24], [sflag:$0x1] =	stream.indirect.gather [hbm4b:s5+s30], $0x80, s31, s30, $0xb8;
	[tilespmem:$0x1C200] =	vst v63  }
0xe5: {  	s8 =	simm.s32 $0x3200;
	s13 =	simm.s32 $0xBF0  }
0xe6: {  	[tilespmem:s8], [sflag:$0x1] =	stream.indirect.gather [hbm4b:s5+s30], $0x80, s3, s30, $0xb8;
	[tilespmem:$0x1C200] =	vst v63  }
.LBB2_5:
0xe7: {  	p1 =	sgt.u32 s31, $0x7A  }
.Ltmp12:
0xe8: {  	_ = 	snop;
	(pc) =	sbr.rel @p1 .LBB2_8-.Ltmp12, $1  }
0xe9: {  	_ =	sdelay $0x3  }
0xea: {  	s3 =	sadd.s32 $0x2, s31  }
0xeb: {  	s8 =	sand.u32 $0xFF, s3  }
0xec: {  	s11 =	smul.u32 $0xAB, s8  }
0xed: {  	s8 =	smul.u32 $0xCD, s8  }
0xee: {  	s11 =	sshrl.u32 s11, $0x9  }
0xef: {  	s8 =	sshrl.u32 s8, $0xA;
	s11 =	smul.u32 $0x3, s11  }
0xf0: {  	p1 =	sne.s32 s31, $0x0;
	s8 =	smul.u32 $0x5, s8  }
.Ltmp13:
0xf1: {  	s11 =	ssub.s32 s3, s11;
	(pc) =	sbr.rel @!p1 .LBB2_7-.Ltmp13, $4  }
0xf2: {  	s11 =	sand.u32 $0xFF, s11  }
0xf3: {  	_ =	swait.ge [sflag:s0], $0x180;
	s3 =	ssub.s32 s3, s8;
	s26 =	smul.u32 $0xA000, s11  }
0xf4: {  	[sflag:s0] =	ssyncset.done $0x0;
	s3 =	sand.u32 $0xFF, s3  }
0xf5: {  	[sflag:s0] =	ssyncadd.s32 $0xFFFFFE80;
	s3 =	sshll.u32 s3, $0x9;
	s8 =	sshrl.u32 s26, $0x2  }
0xf6: {  	p1 =	sgt.u32 s31, $0x78  }
.Ltmp14:
0xf7: {  	_ = 	snop;
	(pc) =	sbr.rel @p1 .LBB2_11-.Ltmp14, $4  }
.Ltmp15:
0xf8: {  	_ =	swait.ge [sflag:s1], $0x2800;
	(pc) =	sbr.rel @!p1 .LBB2_10-.Ltmp15, $4  }
0xf9: {  	[sflag:s1] =	ssyncset.done $0x0  }
0xfa: {  	s8 =	sadd.s32 $0xA00, s8;
	[sflag:s1] =	ssyncadd.s32 $0xFFFFD800  }
0xfb: {  	[tilespmem:s8], [sflag:$0x1] =	stream.indirect.gather [hbm4b:s5+s30], $0x80, s3, s30, $0xb8;
	[tilespmem:$0x1C200] =	vst v63  }
0xfc: {  	_ = 	snop  }
.LBB2_8:
.Ltmp16:
0xfd: {  	(pc) =	sbr.rel .LBB2_11-.Ltmp16, $4  }
0xfe: {  	_ = 	snop  }
0xff: {  	_ =	swait.ge [sflag:s1], $0x2800  }
0x100: {  	[sflag:s1] =	ssyncset.done $0x0  }
0x101: {  	[sflag:s1] =	ssyncadd.s32 $0xFFFFD800  }
.LBB2_7:
0x102: {  	s8 =	sadd.s32 $0xA00, s8  }
0x103: {  	[tilespmem:s8], [sflag:$0x1] =	stream.indirect.gather [hbm4b:s5+s30], $0x80, s3, s30, $0xb8;
	[tilespmem:$0x1C200] =	vst v63  }
.LBB2_10:
0x104: {  	s3 =	sadd.s32 $0x4, s31  }
0x105: {  	s8 =	smul.u32 $0xCD, s3;
	_ =	sdelay $0x1  }
0x106: {  	s8 =	sshrl.u32 s8, $0xA  }
0x107: {  	s8 =	sand.u32 $0x3F, s8  }
0x108: {  	s8 =	smul.u32 $0x5, s8  }
0x109: {  	s11 =	sshll.u32 s3, $0x9  }
0x10a: {  	s26 =	sadd.s32 s10, s11;
	s3 =	ssub.s32 s3, s8  }
0x10b: {  	s8 =	sshrl.u32 s26, $0x3;
	s3 =	sand.u32 $0xFF, s3  }
0x10c: {  	s8 =	sadd.s32 s7, s8;
	s3 =	sshll.u32 s3, $0x9  }
0x10d: {  	[tilespmem:s3], [sflag:$0x2] =	stream.linear.gather [hbm4b:s8+s4], $0x180, $0x38;
	[tilespmem:$0x1C200] =	vst v63  }
.LBB2_11:
0x10e: {  	s3 =	smulhi.u32 $0xAAAAAAAB, s31;
	_ =	sdelay $0x1  }
0x10f: {  	s3 =	sshrl.u32 s3, $0x1  }
0x110: {  	s3 =	smul.u32 $0xFFFE2000, s3  }
0x111: {  	s8 =	sand.u32 $0xFF, s31  }
0x112: {  	s11 =	smul.u32 $0xCD, s8;
	s3 =	sshra.s32 s3, $0x2  }
0x113: {  	v1 =	vmov s3  }
0x114: {  	s11 =	sshrl.u32 s11, $0xA  }
0x115: {  	_ =	swait.ge [sflag:s28], $0x2800;
	s11 =	smul.u32 $0x5, s11  }
0x116: {  	[sflag:s28] =	ssyncset.done $0x0  }
0x117: {  	[sflag:s28] =	ssyncadd.s32 $0xFFFFD800;
	s3 =	ssub.s32 s31, s11  }
0x118: {  	s3 =	sand.u32 $0xFF, s3;
	v6 =	vld.idx.msk [tilespmem:v1+s13+$0xFFFFFE40 ss:$0x1], $0xffff  }
0x119: {  	s3 =	sshll.u32 s3, $0x9;
	v7 =	vld.idx.msk [tilespmem:v1+s13+$0xFFFFFE90 ss:$0x1], $0xffff  }
0x11a: {  	s12 =	sor.u32 $0x100, s3;
	v3 =	vld.idx.msk [tilespmem:v1+s13+$0xFFFFFE10 ss:$0x1], $0xffff  }
0x11b: {  	v2 =	vmov s12;
	v5 =	vld.idx.msk [tilespmem:v1+s13+$0xFFFFFFB0 ss:$0x1], $0xffff  }
0x11c: {  	v8 =	vld.idx.msk [tilespmem:v1+s13+$0xFFFFFFA0 ss:$0x1], $0xffff  }
0x11d: {  	v9 =	vld.idx.msk [tilespmem:v1+s13+$0xFFFFFF10 ss:$0x1], $0xffff  }
0x11e: {  	s11 =	simm.s32 $0x0;
	v10 =	vld.idx.msk [tilespmem:v1+s13+$0xFFFFFF90 ss:$0x1], $0xffff  }
0x11f: {  	s12 =	sand.u32 $0x70, s11;
	v12 =	vld.idx.msk [tilespmem:v1+s13+$0xFFFFFE20 ss:$0x1], $0xffff  }
0x120: {  	v11 =	vld.idx.msk [tilespmem:v2+s12+$0x0 ss:$0x1], $0xffff  }
0x121: {  	v13 =	vld.idx.msk [tilespmem:v1+s13+$0xFFFFFE30 ss:$0x1], $0xffff  }
0x122: {  	v14 =	vld.idx.msk [tilespmem:v1+s13+$0xFFFFFEC0 ss:$0x1], $0xffff  }
0x123: {  	s14 =	sand.u32 $0xC, s11;
	v15 =	vld.idx.msk [tilespmem:v1+s13+$0xFFFFFEB0 ss:$0x1], $0xffff  }
0x124: {  	v4 =	vmov s14;
	v16 =	vld.idx.msk [tilespmem:v1+s13+$0xFFFFFEA0 ss:$0x1], $0xffff  }
0x125: {  	s15 =	simm.s32 $0x3;
	v18 =	vld.idx.msk [tilespmem:v1+s13+$0xFFFFFF20 ss:$0x1], $0xffff;
	v17 =	vperm.xlane v11, v4  }
0x126: {  	v19 =	vld.idx.msk [tilespmem:v1+s13+$0xFFFFFF70 ss:$0x1], $0xffff;
	v4 =	vmov s15  }
0x127: {  	v20 =	vld.idx.msk [tilespmem:v1+s13+$0xFFFFFF80 ss:$0x1], $0xffff;
	v4 =	vperm.xlane v11, v4;
	v3 =	vmul.f32 v3, v17  }
0x128: {  	s16 =	simm.s32 $0x2;
	v21 =	vld.idx.msk [tilespmem:v1+s13+$0xFFFFFFC0 ss:$0x1], $0xffff  }
0x129: {  	v63 =	vld.idx.msk [tilespmem:v1+s13+$0xFFFFFF40 ss:$0x1], $0xffff;
	s12 =	sand.u32 $0xE, s16;
	v10 =	vmul.f32 v10, v4;
	[tilespmem:v1+s13+$0xFFFFFE10 ss:$0x1] =	vst.idx.msk $0xffff, v3  }
0x12a: {  	s14 =	simm.s32 $0x1;
	v12 =	vmul.f32 v12, v17;
	v3 =	vmov s12;
	v22 =	vld.idx.msk [tilespmem:v1+s13+$0xFFFFFE50 ss:$0x1], $0xffff  }
0x12b: {  	s26 =	sand.u32 $0xD, s14;
	v8 =	vmul.f32 v8, v4;
	[tilespmem:v1+s13+$0xFFFFFF90 ss:$0x1] =	vst.idx.msk $0xffff, v10;
	v10 =	vld.idx.msk [tilespmem:v1+s13+$0xFFFFFE60 ss:$0x1], $0xffff;
	v3 =	vperm.xlane v11, v3  }
0x12c: {  	v24 =	vmov s26;
	[tilespmem:v1+s13+$0xFFFFFE20 ss:$0x1] =	vst.idx.msk $0xffff, v12;
	v12 =	vmul.f32 v5, v4;
	v23 =	vld.idx.msk [tilespmem:v1+s13+$0xFFFFFFD0 ss:$0x1], $0xffff  }
0x12d: {  	v5 =	vperm.xlane v11, v24;
	v25 =	vld.idx.msk [tilespmem:v1+s13+$0xFFFFFFE0 ss:$0x1], $0xffff;
	[tilespmem:v1+s13+$0xFFFFFFA0 ss:$0x1] =	vst.idx.msk $0xffff, v8;
	v8 =	vmul.f32 v9, v3  }
0x12e: {  	v11 =	vld.idx.msk [tilespmem:v1+s13+$0xFFFFFF30 ss:$0x1], $0xffff;
	v9 =	vmul.f32 v13, v17;
	[tilespmem:v1+s13+$0xFFFFFFB0 ss:$0x1] =	vst.idx.msk $0xffff, v12  }
0x12f: {  	s8 =	smul.u32 $0xAB, s8;
	v7 =	vmul.f32 v7, v5;
	v26 =	vld.idx.msk [tilespmem:v1+s13+$0x0 ss:$0x1], $0xffff;
	[tilespmem:v1+s13+$0xFFFFFF10 ss:$0x1] =	vst.idx.msk $0xffff, v8  }
0x130: {  	v6 =	vmul.f32 v6, v17;
	v29 =	vmul.f32 v15, v5;
	v15 =	vld.idx.msk [tilespmem:v1+s13+$0xFFFFFFF0 ss:$0x1], $0xffff;
	[tilespmem:v1+s13+$0xFFFFFE30 ss:$0x1] =	vst.idx.msk $0xffff, v9  }
0x131: {  	s8 =	sshrl.u32 s8, $0x9;
	v8 =	vmul.f32 v18, v3;
	[tilespmem:v1+s13+$0xFFFFFE90 ss:$0x1] =	vst.idx.msk $0xffff, v7;
	v28 =	vld.idx.msk [tilespmem:v1+s13+$0xFFFFFE70 ss:$0x1], $0xffff  }
0x132: {  	s8 =	smul.u32 $0x3, s8;
	v7 =	vmul.f32 v16, v5;
	v30 =	vld.idx.msk [tilespmem:v1+s13+$0xFFFFFE80 ss:$0x1], $0xffff;
	[tilespmem:v1+s13+$0xFFFFFE40 ss:$0x1] =	vst.idx.msk $0xffff, v6  }
0x133: {  	v27 =	vld.idx.msk [tilespmem:v1+s13+$0xFFFFFF50 ss:$0x1], $0xffff;
	v9 =	vmul.f32 v22, v17;
	v6 =	vmul.f32 v19, v3;
	[tilespmem:v1+s13+$0xFFFFFF20 ss:$0x1] =	vst.idx.msk $0xffff, v8  }
0x134: {  	s8 =	ssub.s32 s31, s8;
	v13 =	vld.idx.msk [tilespmem:v1+s13+$0xFFFFFED0 ss:$0x1], $0xffff;
	v8 =	vmul.f32 v14, v5;
	v14 =	vmul.f32 v21, v4;
	[tilespmem:v1+s13+$0xFFFFFEA0 ss:$0x1] =	vst.idx.msk $0xffff, v7  }
0x135: {  	s8 =	sand.u32 $0xFF, s8;
	v12 =	vmul.f32 v11, v3;
	v10 =	vmul.f32 v10, v17;
	[tilespmem:v1+s13+$0xFFFFFE50 ss:$0x1] =	vst.idx.msk $0xffff, v9;
	v18 =	vld.idx.msk [tilespmem:v1+s13+$0xFFFFFEE0 ss:$0x1], $0xffff  }
0x136: {  	s8 =	smul.u32 $0xA000, s8;
	v11 =	vmul.f32 v23, v4;
	v7 =	vmul.f32 v20, v3;
	v19 =	vld.idx.msk [tilespmem:v1+s13+$0xFFFFFEF0 ss:$0x1], $0xffff;
	[tilespmem:v1+s13+$0xFFFFFFC0 ss:$0x1] =	vst.idx.msk $0xffff, v14  }
0x137: {  	v22 =	vmul.f32 v25, v4;
	v21 =	vmul.f32 v63, v3;
	v14 =	vld.idx.msk [tilespmem:v1+s13+$0xFFFFFF00 ss:$0x1], $0xffff;
	[tilespmem:v1+s13+$0xFFFFFEB0 ss:$0x1] =	vst.idx.msk $0xffff, v29  }
0x138: {  	s8 =	sshrl.u32 s8, $0x2;
	v9 =	vmul.f32 v26, v4;
	[tilespmem:v1+s13+$0xFFFFFFD0 ss:$0x1] =	vst.idx.msk $0xffff, v11;
	v11 =	vmul.f32 v27, v3  }
0x139: {  	s14 =	sadd.s32 $0x200, s13;
	s12 =	sadd.s32 $0xA00, s8;
	s8 =	smov.u32 s13;
	v20 =	vld.idx.msk [tilespmem:v1+s13+$0xFFFFFF60 ss:$0x1], $0xffff;
	v16 =	vmul.f32 v28, v17;
	v17 =	vmul.f32 v30, v17;
	[tilespmem:v1+s13+$0xFFFFFFE0 ss:$0x1] =	vst.idx.msk $0xffff, v22  }
.LBB2_12:
0x13a: {  	v22 =	vld.idx.msk [tilespmem:v1+s14+$0xFFFFFE40 ss:$0x1], $0xffff;
	s26 =	sadd.s32 $0x5, s11;
	[tilespmem:v1+s8+$0xFFFFFF30 ss:$0x1] =	vst.idx.msk $0xffff, v12;
	s15 =	smov.u32 s11;
	s11 =	sadd.s32 $0x4, s11  }
0x13b: {  	v13 =	vmul.f32 v13, v5;
	v4 =	vmul.f32 v15, v4;
	s16 =	sand.u32 $0x70, s11;
	s26 =	sand.u32 $0xD, s26;
	v12 =	vld.idx.msk [tilespmem:v1+s14+$0xFFFFFE90 ss:$0x1], $0xffff;
	p1 =	slt.u32 s11, $0x4C;
	[tilespmem:v1+s8+$0xFFFFFF40 ss:$0x1] =	vst.idx.msk $0xffff, v21  }
0x13c: {  	v18 =	vmul.f32 v18, v5;
	v15 =	vld.idx.msk [tilespmem:v1+s14+$0xFFFFFE10 ss:$0x1], $0xffff;
	v21 =	vmov s26;
	[tilespmem:v1+s8+$0xFFFFFEC0 ss:$0x1] =	vst.idx.msk $0xffff, v8  }
0x13d: {  	v14 =	vmul.f32 v14, v5;
	v8 =	vld.idx.msk [tilespmem:v1+s14+$0xFFFFFFB0 ss:$0x1], $0xffff;
	[tilespmem:v1+s8+$0xFFFFFED0 ss:$0x1] =	vst.idx.msk $0xffff, v13  }
0x13e: {  	v5 =	vmul.f32 v19, v5;
	v13 =	vld.idx.msk [tilespmem:v1+s14+$0xFFFFFFA0 ss:$0x1], $0xffff;
	[tilespmem:v1+s8+$0xFFFFFEE0 ss:$0x1] =	vst.idx.msk $0xffff, v18  }
0x13f: {  	v3 =	vmul.f32 v20, v3;
	v18 =	vld.idx.msk [tilespmem:v1+s14+$0xFFFFFF10 ss:$0x1], $0xffff;
	[tilespmem:v1+s8+$0xFFFFFE60 ss:$0x1] =	vst.idx.msk $0xffff, v10  }
0x140: {  	s26 =	sand.u32 $0xC, s11;
	v10 =	vld.idx.msk [tilespmem:v1+s14+$0xFFFFFF90 ss:$0x1], $0xffff;
	[tilespmem:v1+s8+$0xFFFFFFF0 ss:$0x1] =	vst.idx.msk $0xffff, v4  }
0x141: {  	v4 =	vmov s26;
	v19 =	vld.idx.msk [tilespmem:v2+s16+$0x0 ss:$0x1], $0xffff;
	[tilespmem:v1+s8+$0xFFFFFE70 ss:$0x1] =	vst.idx.msk $0xffff, v16  }
0x142: {  	v16 =	vld.idx.msk [tilespmem:v1+s14+$0xFFFFFE20 ss:$0x1], $0xffff;
	[tilespmem:v1+s8+$0xFFFFFE80 ss:$0x1] =	vst.idx.msk $0xffff, v17  }
0x143: {  	v17 =	vld.idx.msk [tilespmem:v1+s14+$0xFFFFFE30 ss:$0x1], $0xffff;
	[tilespmem:v1+s8+$0xFFFFFF50 ss:$0x1] =	vst.idx.msk $0xffff, v11  }
0x144: {  	v11 =	vld.idx.msk [tilespmem:v1+s14+$0xFFFFFEC0 ss:$0x1], $0xffff;
	[tilespmem:v1+s8+$0x0 ss:$0x1] =	vst.idx.msk $0xffff, v9  }
0x145: {  	s16 =	sadd.s32 $0x6, s15;
	s15 =	sadd.s32 $0x7, s15;
	v9 =	vld.idx.msk [tilespmem:v1+s14+$0xFFFFFEB0 ss:$0x1], $0xffff;
	[tilespmem:v1+s8+$0xFFFFFEF0 ss:$0x1] =	vst.idx.msk $0xffff, v5  }
0x146: {  	s16 =	sand.u32 $0xE, s16;
	v5 =	vmov s15;
	v20 =	vld.idx.msk [tilespmem:v1+s14+$0xFFFFFEA0 ss:$0x1], $0xffff;
	[tilespmem:v1+s8+$0xFFFFFF60 ss:$0x1] =	vst.idx.msk $0xffff, v3  }
0x147: {  	v23 =	vperm.xlane v19, v4;
	v3 =	vmov s16;
	v4 =	vperm.xlane v19, v5;
	v24 =	vld.idx.msk [tilespmem:v1+s14+$0xFFFFFF20 ss:$0x1], $0xffff;
	[tilespmem:v1+s8+$0xFFFFFF00 ss:$0x1] =	vst.idx.msk $0xffff, v14  }
0x148: {  	v5 =	vperm.xlane v19, v21;
	v3 =	vperm.xlane v19, v3;
	v14 =	vld.idx.msk [tilespmem:v1+s14+$0xFFFFFF70 ss:$0x1], $0xffff;
	[tilespmem:v1+s8+$0xFFFFFF70 ss:$0x1] =	vst.idx.msk $0xffff, v6  }
0x149: {  	v6 =	vmul.f32 v15, v23;
	v15 =	vmul.f32 v17, v23;
	v17 =	vld.idx.msk [tilespmem:v1+s14+$0xFFFFFF80 ss:$0x1], $0xffff;
	[tilespmem:v1+s8+$0xFFFFFF80 ss:$0x1] =	vst.idx.msk $0xffff, v7;
	s8 =	smov.u32 s14  }
0x14a: {  	v10 =	vmul.f32 v10, v4;
	v7 =	vmul.f32 v16, v23;
	v16 =	vld.idx.msk [tilespmem:v1+s14+$0xFFFFFF30 ss:$0x1], $0xffff  }
0x14b: {  	v19 =	vmul.f32 v22, v23;
	v21 =	vmul.f32 v12, v5;
	[tilespmem:v1+s14+$0xFFFFFE10 ss:$0x1] =	vst.idx.msk $0xffff, v6;
	v22 =	vld.idx.msk [tilespmem:v1+s14+$0xFFFFFFC0 ss:$0x1], $0xffff  }
0x14c: {  	v12 =	vmul.f32 v13, v4;
	v18 =	vmul.f32 v18, v3;
	v25 =	vld.idx.msk [tilespmem:v1+s14+$0xFFFFFE50 ss:$0x1], $0xffff;
	[tilespmem:v1+s14+$0xFFFFFF90 ss:$0x1] =	vst.idx.msk $0xffff, v10  }
0x14d: {  	v26 =	vmul.f32 v9, v5;
	v9 =	vmul.f32 v8, v4;
	v10 =	vld.idx.msk [tilespmem:v1+s14+$0xFFFFFE60 ss:$0x1], $0xffff;
	[tilespmem:v1+s14+$0xFFFFFE20 ss:$0x1] =	vst.idx.msk $0xffff, v7  }
0x14e: {  	v8 =	vmul.f32 v11, v5;
	[tilespmem:v1+s14+$0xFFFFFE30 ss:$0x1] =	vst.idx.msk $0xffff, v15;
	v15 =	vmul.f32 v20, v5;
	v11 =	vld.idx.msk [tilespmem:v1+s14+$0xFFFFFFD0 ss:$0x1], $0xffff  }
0x14f: {  	v13 =	vmul.f32 v24, v3;
	v6 =	vmul.f32 v14, v3;
	v14 =	vld.idx.msk [tilespmem:v1+s14+$0xFFFFFFE0 ss:$0x1], $0xffff;
	[tilespmem:v1+s14+$0xFFFFFFA0 ss:$0x1] =	vst.idx.msk $0xffff, v12  }
0x150: {  	v7 =	vmul.f32 v17, v3;
	v12 =	vmul.f32 v16, v3;
	v20 =	vld.idx.msk [tilespmem:v1+s14+$0xFFFFFF40 ss:$0x1], $0xffff;
	[tilespmem:v1+s14+$0xFFFFFFB0 ss:$0x1] =	vst.idx.msk $0xffff, v9  }
0x151: {  	v16 =	vmul.f32 v22, v4;
	[tilespmem:v1+s14+$0xFFFFFF10 ss:$0x1] =	vst.idx.msk $0xffff, v18;
	v9 =	vld.idx.msk [tilespmem:v1+s14+$0x0 ss:$0x1], $0xffff  }
0x152: {  	v17 =	vmul.f32 v25, v23;
	[tilespmem:v1+s14+$0xFFFFFE90 ss:$0x1] =	vst.idx.msk $0xffff, v21;
	v22 =	vld.idx.msk [tilespmem:v1+s14+$0xFFFFFF50 ss:$0x1], $0xffff  }
0x153: {  	v10 =	vmul.f32 v10, v23;
	v24 =	vld.idx.msk [tilespmem:v1+s14+$0xFFFFFE70 ss:$0x1], $0xffff;
	[tilespmem:v1+s14+$0xFFFFFF20 ss:$0x1] =	vst.idx.msk $0xffff, v13  }
0x154: {  	v25 =	vld.idx.msk [tilespmem:v1+s14+$0xFFFFFE80 ss:$0x1], $0xffff;
	[tilespmem:v1+s14+$0xFFFFFE40 ss:$0x1] =	vst.idx.msk $0xffff, v19;
	v19 =	vmul.f32 v11, v4  }
0x155: {  	v27 =	vmul.f32 v14, v4;
	[tilespmem:v1+s14+$0xFFFFFE50 ss:$0x1] =	vst.idx.msk $0xffff, v17;
	v13 =	vld.idx.msk [tilespmem:v1+s14+$0xFFFFFED0 ss:$0x1], $0xffff  }
.Ltmp17:
0x156: {  	v21 =	vmul.f32 v20, v3;
	[tilespmem:v1+s14+$0xFFFFFEA0 ss:$0x1] =	vst.idx.msk $0xffff, v15;
	v15 =	vld.idx.msk [tilespmem:v1+s14+$0xFFFFFFF0 ss:$0x1], $0xffff;
	(pc) =	sbr.rel @p1 .LBB2_12-.Ltmp17, $4  }
0x157: {  	v9 =	vmul.f32 v9, v4;
	v18 =	vld.idx.msk [tilespmem:v1+s14+$0xFFFFFEE0 ss:$0x1], $0xffff;
	[tilespmem:v1+s14+$0xFFFFFFC0 ss:$0x1] =	vst.idx.msk $0xffff, v16  }
0x158: {  	v11 =	vmul.f32 v22, v3;
	v14 =	vld.idx.msk [tilespmem:v1+s14+$0xFFFFFF00 ss:$0x1], $0xffff;
	[tilespmem:v1+s14+$0xFFFFFFD0 ss:$0x1] =	vst.idx.msk $0xffff, v19  }
0x159: {  	v16 =	vmul.f32 v24, v23;
	v19 =	vld.idx.msk [tilespmem:v1+s14+$0xFFFFFEF0 ss:$0x1], $0xffff;
	[tilespmem:v1+s14+$0xFFFFFEB0 ss:$0x1] =	vst.idx.msk $0xffff, v26  }
0x15a: {  	v17 =	vmul.f32 v25, v23;
	s14 =	sadd.s32 $0x200, s14;
	v20 =	vld.idx.msk [tilespmem:v1+s8+$0xFFFFFF60 ss:$0x1], $0xffff;
	[tilespmem:v1+s8+$0xFFFFFFE0 ss:$0x1] =	vst.idx.msk $0xffff, v27  }
0x15b: {  	_ =	sdelay $0x3  }
0x15c: {  	[tilespmem:v1+s8+$0xFFFFFF30 ss:$0x1] =	vst.idx.msk $0xffff, v12  }
0x15d: {  	[tilespmem:v1+s8+$0xFFFFFEC0 ss:$0x1] =	vst.idx.msk $0xffff, v8  }
0x15e: {  	[tilespmem:v1+s8+$0xFFFFFE60 ss:$0x1] =	vst.idx.msk $0xffff, v10  }
0x15f: {  	v2 =	vmul.f32 v13, v5;
	[tilespmem:v1+s8+$0xFFFFFF40 ss:$0x1] =	vst.idx.msk $0xffff, v21  }
0x160: {  	[tilespmem:v1+s8+$0xFFFFFE70 ss:$0x1] =	vst.idx.msk $0xffff, v16  }
0x161: {  	[tilespmem:v1+s8+$0xFFFFFED0 ss:$0x1] =	vst.idx.msk $0xffff, v2  }
0x162: {  	v62 =	vmul.f32 v18, v5;
	[tilespmem:v1+s8+$0xFFFFFE80 ss:$0x1] =	vst.idx.msk $0xffff, v17  }
0x163: {  	v2 =	vmul.f32 v15, v4;
	[tilespmem:v1+s8+$0xFFFFFF50 ss:$0x1] =	vst.idx.msk $0xffff, v11  }
0x164: {  	[tilespmem:v1+s8+$0xFFFFFEE0 ss:$0x1] =	vst.idx.msk $0xffff, v62  }
0x165: {  	[tilespmem:v1+s8+$0xFFFFFFF0 ss:$0x1] =	vst.idx.msk $0xffff, v2;
	v2 =	vmul.f32 v19, v5  }
0x166: {  	s31 =	sadd.s32 $0x1, s31;
	v3 =	vmul.f32 v20, v3;
	[tilespmem:v1+s8+$0x0 ss:$0x1] =	vst.idx.msk $0xffff, v9  }
0x167: {  	p1 =	seq.s32 s31, $0x7D;
	v63 =	vmul.f32 v14, v5;
	[tilespmem:v1+s8+$0xFFFFFEF0 ss:$0x1] =	vst.idx.msk $0xffff, v2  }
.Ltmp18:
0x168: {  	[tilespmem:v1+s8+$0xFFFFFF60 ss:$0x1] =	vst.idx.msk $0xffff, v3;
	(pc) =	sbr.rel @!p1 .LBB2_5-.Ltmp18, $4  }
0x169: {  	[tilespmem:v1+s8+$0xFFFFFF00 ss:$0x1] =	vst.idx.msk $0xffff, v63  }
0x16a: {  	[tilespmem:v1+s8+$0xFFFFFF70 ss:$0x1] =	vst.idx.msk $0xffff, v6  }
0x16b: {  	s3 =	sadd.s32 $0x80, s3;
	s13 =	sadd.s32 $0x2800, s13;
	[tilespmem:v1+s8+$0xFFFFFF80 ss:$0x1] =	vst.idx.msk $0xffff, v7  }
0x16c: {  	[spmem:s2] =	stream.indirect.scatter.add.f32 [tilespmem:s12], [sflag:$0x3], $0x80, s3, s30, $0xb8;
	[tilespmem:$0x1C200] =	vst v63  }
.Ltmp19:
0x16d: {  	(pc) =	sbr.rel .LBB2_26-.Ltmp19, $2  }
0x16e: {  	_ =	sdelay $0x2  }
0x16f: {  	s3 =	rddreg [dreg:$0x1]  }
.LBB2_27:
0x170: {  	_ =	sfence.sel $0x180000  }
0x171: {  	[bflag:$0x0] =	sbarrier.arrive $0xFFFF  }
0x172: {  	_ =	strace $0x90000047  }
0x173: {  	s0 =	stileid.u32;
	[bflag:$0x2] =	sbarrier.arrive $0xFFFF  }
0x174: {  	p0 =	sne.s32 s0, $0x0;
	s0 =	rddreg [dreg:$0x3]  }
0x175: {  	s0 =	sadd.s32 @!p0 $0x100000, s0  }
0x176: {  	[sflag:s0] =	ssyncadd.tile.s32 @!p0 $0x1;
	_ =	shalt  }
.Lfunc_end2:
_tile_overlayer_lowered:
.L_overlay_start_2:
0x177: {  	(tag) =	ssettag $0x2  }
0x178: {  	s0 =	rddreg [dreg:$0x0];
	s2 =	stileid.u32  }
0x179: {  	s1 =	rddreg [dreg:$0x1];
	p0 =	sne.s32 s2, $0x0  }
0x17a: {  	s3 =	rddreg [dreg:$0x2];
	[bflag:$0x3] =	sbarrier.arrive $0xFFFF;
	s2 =	simm.s32 @!p0 $0x1C04  }
0x17b: {  	[timem:s3], [sflag:s2] =	dma.local @!p0 [hbm:s0], s1  }
0x17c: {  	s0 =	simm.s32 @!p0 $0x4  }
0x17d: {  	_ =	swait.ge @!p0 [sflag:s0], s1  }
0x17e: {  	s1 =	ssub.s32 @!p0 $0x0, s1;
	[sflag:s0] =	ssyncset.done @!p0 $0x0  }
0x17f: {  	[sflag:s0] =	ssyncadd.s32 @!p0 s1  }
0x180: {  	[bflag:$0x3] =	sbarrier.arrive $0xFFFF  }
0x181: {  	_ =	shalt  }

</sc_bundles>
